<compile_context>
chip_gen: v7x
topology: tpu7x:2x2x1
jax: 0.10.2.dev20260603
libtpu: 0.0.44.dev20260713+nightly
codegen_flags: <defaults>
</compile_context>

<pallas_src>
import functools

import jax
import jax.numpy as jnp
from jax import lax
from jax.experimental import pallas as pl
from jax.experimental.pallas import tpu as pltpu
from jax.experimental.pallas import tpu_sc as plsc

D_MODEL = 2048
E = 16
K = 2
N = 8192
NW = 32
TPW = N // NW
CHUNK = 16


def _logits_body(x_ref, w_ref, b_ref, out_ref):
    out_ref[...] = (
        jnp.dot(x_ref[...], w_ref[...], preferred_element_type=jnp.float32)
        + b_ref[...]
    )


def _logits(x, W, b2):
    m_blk = 1024
    return pl.pallas_call(
        _logits_body,
        grid=(N // m_blk,),
        in_specs=[
            pl.BlockSpec((m_blk, D_MODEL), lambda i: (i, 0)),
            pl.BlockSpec((D_MODEL, E), lambda i: (0, 0)),
            pl.BlockSpec((1, E), lambda i: (0, 0)),
        ],
        out_specs=pl.BlockSpec((m_blk, E), lambda i: (i, 0)),
        out_shape=jax.ShapeDtypeStruct((N, E), jnp.float32),
    )(x, W, b2)


_MESH = plsc.VectorSubcoreMesh(core_axis_name="c", subcore_axis_name="s")


@functools.partial(
    pl.kernel,
    out_type=[
        jax.ShapeDtypeStruct((N, K), jnp.int32),
        jax.ShapeDtypeStruct((N, K), jnp.float32),
        jax.ShapeDtypeStruct((NW, E), jnp.float32),
    ],
    mesh=_MESH,
    compiler_params=pltpu.CompilerParams(needs_layout_passes=False),
    scratch_types=[
        pltpu.VMEM((TPW, E), jnp.float32),
        pltpu.VMEM((TPW, K), jnp.int32),
        pltpu.VMEM((TPW, K), jnp.float32),
        pltpu.VMEM((E,), jnp.float32),
    ],
)
def _route(logits_hbm, idx_hbm, prob_hbm, hist_hbm, lg_v, idx_v, prob_v, hist_v):
    wid = lax.axis_index("s") * 2 + lax.axis_index("c")
    base = wid * TPW
    pltpu.sync_copy(logits_hbm.at[pl.ds(base, TPW), :], lg_v)

    hist_v[...] = jnp.zeros((E,), jnp.float32)
    lanes = lax.iota(jnp.int32, CHUNK)
    ones_f = jnp.ones((CHUNK,), jnp.float32)
    zero_i = jnp.zeros((CHUNK,), jnp.int32)
    one_i = jnp.full((CHUNK,), 1, jnp.int32)

    def chunk_body(c, carry):
        rows = lanes + c * CHUNK
        m1 = plsc.load_gather(lg_v, [rows, zero_i])
        i1 = zero_i
        m2 = jnp.full((CHUNK,), -jnp.inf, jnp.float32)
        i2 = zero_i
        for e in range(1, E):
            e_i = jnp.full((CHUNK,), e, jnp.int32)
            v = plsc.load_gather(lg_v, [rows, e_i])
            gt1 = v > m1
            gt2 = v > m2
            i2 = jnp.where(gt1, i1, jnp.where(gt2, e_i, i2))
            m2 = jnp.where(gt1, m1, jnp.where(gt2, v, m2))
            i1 = jnp.where(gt1, e_i, i1)
            m1 = jnp.where(gt1, v, m1)
        d = jnp.exp(m2 - m1)
        p1 = 1.0 / (1.0 + d)
        p2 = 1.0 - p1
        plsc.store_scatter(idx_v, [rows, zero_i], i1)
        plsc.store_scatter(idx_v, [rows, one_i], i2)
        plsc.store_scatter(prob_v, [rows, zero_i], p1)
        plsc.store_scatter(prob_v, [rows, one_i], p2)
        plsc.addupdate_scatter(hist_v, [i1], ones_f)
        plsc.addupdate_scatter(hist_v, [i2], ones_f)
        return carry

    lax.fori_loop(0, TPW // CHUNK, chunk_body, 0)

    pltpu.sync_copy(idx_v, idx_hbm.at[pl.ds(base, TPW), :])
    pltpu.sync_copy(prob_v, prob_hbm.at[pl.ds(base, TPW), :])
    pltpu.sync_copy(hist_v, hist_hbm.at[wid])


def kernel(x, W, b):
    logits = _logits(x, W, b.reshape(1, E))
    idx, prob, hist_parts = _route(logits)
    return idx, prob, hist_parts.sum(axis=0)

# --- scband reference (transcript-rebuilt; emitter-appended) ---
"""Pipeline reference for scband-energy-aware-tttrouter-5059471475439 (READ-ONLY COPY).

The authoritative reference and input builder live on the scoring server;
editing this copy changes nothing except your own understanding.
"""

import jax, jax.numpy as jnp
import numpy as np

D_MODEL = 2048
NUM_EXPERTS = 16
TOP_K = 2
N_TOKENS = 8192


def setup_inputs(seed: int = 0) -> dict:
    key = jax.random.key(seed)
    k1, k2 = jax.random.split(key, 2)
    x = jax.random.normal(k1, (N_TOKENS, D_MODEL), dtype=jnp.float32)
    # gate = nn.Linear(d_model, num_experts): weight [E, d_model], bias [E]
    W = jax.random.normal(k2, (D_MODEL, NUM_EXPERTS), dtype=jnp.float32) * 0.02
    b = jnp.zeros((NUM_EXPERTS,), dtype=jnp.float32)
    return {"x": x, "W": W, "b": b}


def reference(x, W, b):
    # last_estimated_energy == 0.0 at init, so the energy-penalty branch is skipped
    logits = x @ W + b
    probs = jax.nn.softmax(logits, axis=-1)
    top_k_probs, top_k_indices = jax.lax.top_k(probs, TOP_K)
    top_k_probs = top_k_probs / (jnp.sum(top_k_probs, axis=-1, keepdims=True) + 1e-08)
    # expert_usage[i] = (top_k_indices == i).sum()
    expert_usage = jnp.sum(
        (top_k_indices[..., None] == jnp.arange(NUM_EXPERTS)).astype(jnp.float32),
        axis=(0, 1),
    )
    return (top_k_indices, top_k_probs, expert_usage)

if __name__ == "__main__":
    import jax
    _d = setup_inputs()
    print(jax.jit(kernel)(*tuple(_d.values())))

</pallas_src>

<mosaic_0001>
#map = affine_map<(d0, d1) -> (0, 0)>
module attributes {stable_mosaic.version = 14 : i64} {
  func.func @_route(%arg0: i32, %arg1: i32, %arg2: memref<8192x16xf32, #tpu.memory_space<hbm>>, %arg3: memref<8192x2xi32, #tpu.memory_space<hbm>>, %arg4: memref<8192x2xf32, #tpu.memory_space<hbm>>, %arg5: memref<32x16xf32, #tpu.memory_space<hbm>>, %arg6: memref<256x16xf32, #tpu.memory_space<vmem>>, %arg7: memref<256x2xi32, #tpu.memory_space<vmem>>, %arg8: memref<256x2xf32, #tpu.memory_space<vmem>>, %arg9: memref<16xf32, #tpu.memory_space<vmem>>) attributes {dimension_semantics = [#tpu.dimension_semantics<core_parallel>, #tpu.dimension_semantics<subcore_parallel>], iteration_bounds = array<i64: 2, 16>, scalar_prefetch = 0 : i64, scratch_operands = 4 : i64, tpu.core_type = #tpu.core_type<sc_vector_subcore>, window_params = [{transform_indices = #map}, {transform_indices = #map}, {transform_indices = #map}, {transform_indices = #map}]} {
    %mul3A = arith.constant 2 : i32
    %mul3A_0 = arith.muli %arg1, %mul3A : i32
    %add3A = arith.addi %mul3A_0, %arg0 : i32
    %mul3A_1 = arith.constant 256 : i32
    %mul3A_2 = arith.muli %add3A, %mul3A_1 : i32
    "tpu.region"() ({
      %run_scoped3A = tpu.sem_alloc : memref<!tpu.dma_semaphore, #tpu.memory_space<semaphore_mem>>
      %dma_start3A = arith.constant 0 : i32
      %dma_start3A_16 = tpu.memref_slice %arg2[%mul3A_2, %dma_start3A] : memref<8192x16xf32, #tpu.memory_space<hbm>> -> memref<256x16xf32, #tpu.memory_space<hbm>>
      %dma_start3A_17 = arith.constant 0 : i32
      %dma_start3A_18 = tpu.memref_slice %arg2[%mul3A_2, %dma_start3A_17] : memref<8192x16xf32, #tpu.memory_space<hbm>> -> memref<256x16xf32, #tpu.memory_space<hbm>>
      tpu.enqueue_dma source(%dma_start3A_18 : memref<256x16xf32, #tpu.memory_space<hbm>>) target(%arg6 : memref<256x16xf32, #tpu.memory_space<vmem>>) target_semaphore(%run_scoped3A : memref<!tpu.dma_semaphore, #tpu.memory_space<semaphore_mem>>)
      %dma_wait3A = arith.constant 0 : i32
      %dma_wait3A_19 = tpu.memref_slice %arg2[%mul3A_2, %dma_wait3A] : memref<8192x16xf32, #tpu.memory_space<hbm>> -> memref<256x16xf32, #tpu.memory_space<hbm>>
      %dma_wait3A_20 = arith.constant 0 : i32
      %dma_wait3A_21 = tpu.memref_slice %arg2[%mul3A_2, %dma_wait3A_20] : memref<8192x16xf32, #tpu.memory_space<hbm>> -> memref<256x16xf32, #tpu.memory_space<hbm>>
      tpu.wait_dma2 semaphore(%run_scoped3A : memref<!tpu.dma_semaphore, #tpu.memory_space<semaphore_mem>>) src(%dma_wait3A_21 : memref<256x16xf32, #tpu.memory_space<hbm>>) dst(%arg6 : memref<256x16xf32, #tpu.memory_space<vmem>>)
      tpu.yield
    }) : () -> ()
    %broadcast_in_dim3A = arith.constant 0.000000e+00 : f32
    %broadcast_in_dim3A_3 = vector.broadcast %broadcast_in_dim3A : f32 to vector<16xf32>
    %swap3A = arith.constant 0 : index
    %swap3A_4 = tpu.vector_load %arg9[%swap3A] {strides = array<i32>} : memref<16xf32, #tpu.memory_space<vmem>>, vector<16xf32>,
    tpu.vector_store %arg9[%swap3A], %broadcast_in_dim3A_3 {strides = array<i32>} : memref<16xf32, #tpu.memory_space<vmem>>, vector<16xf32>,
    %iota3A = tpu.iota {dimensions = array<i32: 0>} : vector<16xi32>
    %broadcast_in_dim3A_5 = arith.constant 1.000000e+00 : f32
    %broadcast_in_dim3A_6 = vector.broadcast %broadcast_in_dim3A_5 : f32 to vector<16xf32>
    %broadcast_in_dim3A_7 = arith.constant 0 : i32
    %broadcast_in_dim3A_8 = vector.broadcast %broadcast_in_dim3A_7 : i32 to vector<16xi32>
    %broadcast_in_dim3A_9 = arith.constant 1 : i32
    %broadcast_in_dim3A_10 = vector.broadcast %broadcast_in_dim3A_9 : i32 to vector<16xi32>
    %scan3A = arith.constant 0 : i32
    %scan3A_11 = arith.constant 0 : i32
    %scan3A_12 = arith.constant 16 : i32
    %scan3A_13 = arith.addi %scan3A_11, %scan3A_12 : i32
    %scan3A_14 = arith.constant 1 : i32
    scf.for %scan3A_16 = %scan3A_11 to %scan3A_13 step %scan3A_14  : i32 {
      %mul3A_17 = arith.constant 16 : i32
      %mul3A_18 = arith.muli %scan3A_16, %mul3A_17 : i32
      %add3A_19 = vector.broadcast %mul3A_18 : i32 to vector<16xi32>
      %add3A_20 = arith.addi %iota3A, %add3A_19 : vector<16xi32>
      %gather3A = tpu.vector_load_idx %arg6[%add3A_20, %broadcast_in_dim3A_8] : memref<256x16xf32, #tpu.memory_space<vmem>>[vector<16xi32>, vector<16xi32>], vector<16xf32>,
      %broadcast_in_dim3A_21 = arith.constant 0xFF800000 : f32
      %broadcast_in_dim3A_22 = vector.broadcast %broadcast_in_dim3A_21 : f32 to vector<16xf32>
      %broadcast_in_dim3A_23 = arith.constant 1 : i32
      %broadcast_in_dim3A_24 = vector.broadcast %broadcast_in_dim3A_23 : i32 to vector<16xi32>
      %gather3A_25 = tpu.vector_load_idx %arg6[%add3A_20, %broadcast_in_dim3A_24] : memref<256x16xf32, #tpu.memory_space<vmem>>[vector<16xi32>, vector<16xi32>], vector<16xf32>,
      %gt3A = arith.cmpf ogt, %gather3A_25, %gather3A : vector<16xf32>
      %gt3A_26 = arith.cmpf ogt, %gather3A_25, %broadcast_in_dim3A_22 : vector<16xf32>
      %select_n3A = arith.select %gt3A_26, %broadcast_in_dim3A_24, %broadcast_in_dim3A_8 : vector<16xi1>, vector<16xi32>
      %select_n3A_27 = arith.select %gt3A, %broadcast_in_dim3A_8, %select_n3A : vector<16xi1>, vector<16xi32>
      %select_n3A_28 = arith.select %gt3A_26, %gather3A_25, %broadcast_in_dim3A_22 : vector<16xi1>, vector<16xf32>
      %select_n3A_29 = arith.select %gt3A, %gather3A, %select_n3A_28 : vector<16xi1>, vector<16xf32>
      %select_n3A_30 = arith.select %gt3A, %broadcast_in_dim3A_24, %broadcast_in_dim3A_8 : vector<16xi1>, vector<16xi32>
      %select_n3A_31 = arith.select %gt3A, %gather3A_25, %gather3A : vector<16xi1>, vector<16xf32>
      %broadcast_in_dim3A_32 = arith.constant 2 : i32
      %broadcast_in_dim3A_33 = vector.broadcast %broadcast_in_dim3A_32 : i32 to vector<16xi32>
      %gather3A_34 = tpu.vector_load_idx %arg6[%add3A_20, %broadcast_in_dim3A_33] : memref<256x16xf32, #tpu.memory_space<vmem>>[vector<16xi32>, vector<16xi32>], vector<16xf32>,
      %gt3A_35 = arith.cmpf ogt, %gather3A_34, %select_n3A_31 : vector<16xf32>
      %gt3A_36 = arith.cmpf ogt, %gather3A_34, %select_n3A_29 : vector<16xf32>
      %select_n3A_37 = arith.select %gt3A_36, %broadcast_in_dim3A_33, %select_n3A_27 : vector<16xi1>, vector<16xi32>
      %select_n3A_38 = arith.select %gt3A_35, %select_n3A_30, %select_n3A_37 : vector<16xi1>, vector<16xi32>
      %select_n3A_39 = arith.select %gt3A_36, %gather3A_34, %select_n3A_29 : vector<16xi1>, vector<16xf32>
      %select_n3A_40 = arith.select %gt3A_35, %select_n3A_31, %select_n3A_39 : vector<16xi1>, vector<16xf32>
      %select_n3A_41 = arith.select %gt3A_35, %broadcast_in_dim3A_33, %select_n3A_30 : vector<16xi1>, vector<16xi32>
      %select_n3A_42 = arith.select %gt3A_35, %gather3A_34, %select_n3A_31 : vector<16xi1>, vector<16xf32>
      %broadcast_in_dim3A_43 = arith.constant 3 : i32
      %broadcast_in_dim3A_44 = vector.broadcast %broadcast_in_dim3A_43 : i32 to vector<16xi32>
      %gather3A_45 = tpu.vector_load_idx %arg6[%add3A_20, %broadcast_in_dim3A_44] : memref<256x16xf32, #tpu.memory_space<vmem>>[vector<16xi32>, vector<16xi32>], vector<16xf32>,
      %gt3A_46 = arith.cmpf ogt, %gather3A_45, %select_n3A_42 : vector<16xf32>
      %gt3A_47 = arith.cmpf ogt, %gather3A_45, %select_n3A_40 : vector<16xf32>
      %select_n3A_48 = arith.select %gt3A_47, %broadcast_in_dim3A_44, %select_n3A_38 : vector<16xi1>, vector<16xi32>
      %select_n3A_49 = arith.select %gt3A_46, %select_n3A_41, %select_n3A_48 : vector<16xi1>, vector<16xi32>
      %select_n3A_50 = arith.select %gt3A_47, %gather3A_45, %select_n3A_40 : vector<16xi1>, vector<16xf32>
      %select_n3A_51 = arith.select %gt3A_46, %select_n3A_42, %select_n3A_50 : vector<16xi1>, vector<16xf32>
      %select_n3A_52 = arith.select %gt3A_46, %broadcast_in_dim3A_44, %select_n3A_41 : vector<16xi1>, vector<16xi32>
      %select_n3A_53 = arith.select %gt3A_46, %gather3A_45, %select_n3A_42 : vector<16xi1>, vector<16xf32>
      %broadcast_in_dim3A_54 = arith.constant 4 : i32
      %broadcast_in_dim3A_55 = vector.broadcast %broadcast_in_dim3A_54 : i32 to vector<16xi32>
      %gather3A_56 = tpu.vector_load_idx %arg6[%add3A_20, %broadcast_in_dim3A_55] : memref<256x16xf32, #tpu.memory_space<vmem>>[vector<16xi32>, vector<16xi32>], vector<16xf32>,
      %gt3A_57 = arith.cmpf ogt, %gather3A_56, %select_n3A_53 : vector<16xf32>
      %gt3A_58 = arith.cmpf ogt, %gather3A_56, %select_n3A_51 : vector<16xf32>
      %select_n3A_59 = arith.select %gt3A_58, %broadcast_in_dim3A_55, %select_n3A_49 : vector<16xi1>, vector<16xi32>
      %select_n3A_60 = arith.select %gt3A_57, %select_n3A_52, %select_n3A_59 : vector<16xi1>, vector<16xi32>
      %select_n3A_61 = arith.select %gt3A_58, %gather3A_56, %select_n3A_51 : vector<16xi1>, vector<16xf32>
      %select_n3A_62 = arith.select %gt3A_57, %select_n3A_53, %select_n3A_61 : vector<16xi1>, vector<16xf32>
      %select_n3A_63 = arith.select %gt3A_57, %broadcast_in_dim3A_55, %select_n3A_52 : vector<16xi1>, vector<16xi32>
      %select_n3A_64 = arith.select %gt3A_57, %gather3A_56, %select_n3A_53 : vector<16xi1>, vector<16xf32>
      %broadcast_in_dim3A_65 = arith.constant 5 : i32
      %broadcast_in_dim3A_66 = vector.broadcast %broadcast_in_dim3A_65 : i32 to vector<16xi32>
      %gather3A_67 = tpu.vector_load_idx %arg6[%add3A_20, %broadcast_in_dim3A_66] : memref<256x16xf32, #tpu.memory_space<vmem>>[vector<16xi32>, vector<16xi32>], vector<16xf32>,
      %gt3A_68 = arith.cmpf ogt, %gather3A_67, %select_n3A_64 : vector<16xf32>
      %gt3A_69 = arith.cmpf ogt, %gather3A_67, %select_n3A_62 : vector<16xf32>
      %select_n3A_70 = arith.select %gt3A_69, %broadcast_in_dim3A_66, %select_n3A_60 : vector<16xi1>, vector<16xi32>
      %select_n3A_71 = arith.select %gt3A_68, %select_n3A_63, %select_n3A_70 : vector<16xi1>, vector<16xi32>
      %select_n3A_72 = arith.select %gt3A_69, %gather3A_67, %select_n3A_62 : vector<16xi1>, vector<16xf32>
      %select_n3A_73 = arith.select %gt3A_68, %select_n3A_64, %select_n3A_72 : vector<16xi1>, vector<16xf32>
      %select_n3A_74 = arith.select %gt3A_68, %broadcast_in_dim3A_66, %select_n3A_63 : vector<16xi1>, vector<16xi32>
      %select_n3A_75 = arith.select %gt3A_68, %gather3A_67, %select_n3A_64 : vector<16xi1>, vector<16xf32>
      %broadcast_in_dim3A_76 = arith.constant 6 : i32
      %broadcast_in_dim3A_77 = vector.broadcast %broadcast_in_dim3A_76 : i32 to vector<16xi32>
      %gather3A_78 = tpu.vector_load_idx %arg6[%add3A_20, %broadcast_in_dim3A_77] : memref<256x16xf32, #tpu.memory_space<vmem>>[vector<16xi32>, vector<16xi32>], vector<16xf32>,
      %gt3A_79 = arith.cmpf ogt, %gather3A_78, %select_n3A_75 : vector<16xf32>
      %gt3A_80 = arith.cmpf ogt, %gather3A_78, %select_n3A_73 : vector<16xf32>
      %select_n3A_81 = arith.select %gt3A_80, %broadcast_in_dim3A_77, %select_n3A_71 : vector<16xi1>, vector<16xi32>
      %select_n3A_82 = arith.select %gt3A_79, %select_n3A_74, %select_n3A_81 : vector<16xi1>, vector<16xi32>
      %select_n3A_83 = arith.select %gt3A_80, %gather3A_78, %select_n3A_73 : vector<16xi1>, vector<16xf32>
      %select_n3A_84 = arith.select %gt3A_79, %select_n3A_75, %select_n3A_83 : vector<16xi1>, vector<16xf32>
      %select_n3A_85 = arith.select %gt3A_79, %broadcast_in_dim3A_77, %select_n3A_74 : vector<16xi1>, vector<16xi32>
      %select_n3A_86 = arith.select %gt3A_79, %gather3A_78, %select_n3A_75 : vector<16xi1>, vector<16xf32>
      %broadcast_in_dim3A_87 = arith.constant 7 : i32
      %broadcast_in_dim3A_88 = vector.broadcast %broadcast_in_dim3A_87 : i32 to vector<16xi32>
      %gather3A_89 = tpu.vector_load_idx %arg6[%add3A_20, %broadcast_in_dim3A_88] : memref<256x16xf32, #tpu.memory_space<vmem>>[vector<16xi32>, vector<16xi32>], vector<16xf32>,
      %gt3A_90 = arith.cmpf ogt, %gather3A_89, %select_n3A_86 : vector<16xf32>
      %gt3A_91 = arith.cmpf ogt, %gather3A_89, %select_n3A_84 : vector<16xf32>
      %select_n3A_92 = arith.select %gt3A_91, %broadcast_in_dim3A_88, %select_n3A_82 : vector<16xi1>, vector<16xi32>
      %select_n3A_93 = arith.select %gt3A_90, %select_n3A_85, %select_n3A_92 : vector<16xi1>, vector<16xi32>
      %select_n3A_94 = arith.select %gt3A_91, %gather3A_89, %select_n3A_84 : vector<16xi1>, vector<16xf32>
      %select_n3A_95 = arith.select %gt3A_90, %select_n3A_86, %select_n3A_94 : vector<16xi1>, vector<16xf32>
      %select_n3A_96 = arith.select %gt3A_90, %broadcast_in_dim3A_88, %select_n3A_85 : vector<16xi1>, vector<16xi32>
      %select_n3A_97 = arith.select %gt3A_90, %gather3A_89, %select_n3A_86 : vector<16xi1>, vector<16xf32>
      %broadcast_in_dim3A_98 = arith.constant 8 : i32
      %broadcast_in_dim3A_99 = vector.broadcast %broadcast_in_dim3A_98 : i32 to vector<16xi32>
      %gather3A_100 = tpu.vector_load_idx %arg6[%add3A_20, %broadcast_in_dim3A_99] : memref<256x16xf32, #tpu.memory_space<vmem>>[vector<16xi32>, vector<16xi32>], vector<16xf32>,
      %gt3A_101 = arith.cmpf ogt, %gather3A_100, %select_n3A_97 : vector<16xf32>
      %gt3A_102 = arith.cmpf ogt, %gather3A_100, %select_n3A_95 : vector<16xf32>
      %select_n3A_103 = arith.select %gt3A_102, %broadcast_in_dim3A_99, %select_n3A_93 : vector<16xi1>, vector<16xi32>
      %select_n3A_104 = arith.select %gt3A_101, %select_n3A_96, %select_n3A_103 : vector<16xi1>, vector<16xi32>
      %select_n3A_105 = arith.select %gt3A_102, %gather3A_100, %select_n3A_95 : vector<16xi1>, vector<16xf32>
      %select_n3A_106 = arith.select %gt3A_101, %select_n3A_97, %select_n3A_105 : vector<16xi1>, vector<16xf32>
      %select_n3A_107 = arith.select %gt3A_101, %broadcast_in_dim3A_99, %select_n3A_96 : vector<16xi1>, vector<16xi32>
      %select_n3A_108 = arith.select %gt3A_101, %gather3A_100, %select_n3A_97 : vector<16xi1>, vector<16xf32>
      %broadcast_in_dim3A_109 = arith.constant 9 : i32
      %broadcast_in_dim3A_110 = vector.broadcast %broadcast_in_dim3A_109 : i32 to vector<16xi32>
      %gather3A_111 = tpu.vector_load_idx %arg6[%add3A_20, %broadcast_in_dim3A_110] : memref<256x16xf32, #tpu.memory_space<vmem>>[vector<16xi32>, vector<16xi32>], vector<16xf32>,
      %gt3A_112 = arith.cmpf ogt, %gather3A_111, %select_n3A_108 : vector<16xf32>
      %gt3A_113 = arith.cmpf ogt, %gather3A_111, %select_n3A_106 : vector<16xf32>
      %select_n3A_114 = arith.select %gt3A_113, %broadcast_in_dim3A_110, %select_n3A_104 : vector<16xi1>, vector<16xi32>
      %select_n3A_115 = arith.select %gt3A_112, %select_n3A_107, %select_n3A_114 : vector<16xi1>, vector<16xi32>
      %select_n3A_116 = arith.select %gt3A_113, %gather3A_111, %select_n3A_106 : vector<16xi1>, vector<16xf32>
      %select_n3A_117 = arith.select %gt3A_112, %select_n3A_108, %select_n3A_116 : vector<16xi1>, vector<16xf32>
      %select_n3A_118 = arith.select %gt3A_112, %broadcast_in_dim3A_110, %select_n3A_107 : vector<16xi1>, vector<16xi32>
      %select_n3A_119 = arith.select %gt3A_112, %gather3A_111, %select_n3A_108 : vector<16xi1>, vector<16xf32>
      %broadcast_in_dim3A_120 = arith.constant 10 : i32
      %broadcast_in_dim3A_121 = vector.broadcast %broadcast_in_dim3A_120 : i32 to vector<16xi32>
      %gather3A_122 = tpu.vector_load_idx %arg6[%add3A_20, %broadcast_in_dim3A_121] : memref<256x16xf32, #tpu.memory_space<vmem>>[vector<16xi32>, vector<16xi32>], vector<16xf32>,
      %gt3A_123 = arith.cmpf ogt, %gather3A_122, %select_n3A_119 : vector<16xf32>
      %gt3A_124 = arith.cmpf ogt, %gather3A_122, %select_n3A_117 : vector<16xf32>
      %select_n3A_125 = arith.select %gt3A_124, %broadcast_in_dim3A_121, %select_n3A_115 : vector<16xi1>, vector<16xi32>
      %select_n3A_126 = arith.select %gt3A_123, %select_n3A_118, %select_n3A_125 : vector<16xi1>, vector<16xi32>
      %select_n3A_127 = arith.select %gt3A_124, %gather3A_122, %select_n3A_117 : vector<16xi1>, vector<16xf32>
      %select_n3A_128 = arith.select %gt3A_123, %select_n3A_119, %select_n3A_127 : vector<16xi1>, vector<16xf32>
      %select_n3A_129 = arith.select %gt3A_123, %broadcast_in_dim3A_121, %select_n3A_118 : vector<16xi1>, vector<16xi32>
      %select_n3A_130 = arith.select %gt3A_123, %gather3A_122, %select_n3A_119 : vector<16xi1>, vector<16xf32>
      %broadcast_in_dim3A_131 = arith.constant 11 : i32
      %broadcast_in_dim3A_132 = vector.broadcast %broadcast_in_dim3A_131 : i32 to vector<16xi32>
      %gather3A_133 = tpu.vector_load_idx %arg6[%add3A_20, %broadcast_in_dim3A_132] : memref<256x16xf32, #tpu.memory_space<vmem>>[vector<16xi32>, vector<16xi32>], vector<16xf32>,
      %gt3A_134 = arith.cmpf ogt, %gather3A_133, %select_n3A_130 : vector<16xf32>
      %gt3A_135 = arith.cmpf ogt, %gather3A_133, %select_n3A_128 : vector<16xf32>
      %select_n3A_136 = arith.select %gt3A_135, %broadcast_in_dim3A_132, %select_n3A_126 : vector<16xi1>, vector<16xi32>
      %select_n3A_137 = arith.select %gt3A_134, %select_n3A_129, %select_n3A_136 : vector<16xi1>, vector<16xi32>
      %select_n3A_138 = arith.select %gt3A_135, %gather3A_133, %select_n3A_128 : vector<16xi1>, vector<16xf32>
      %select_n3A_139 = arith.select %gt3A_134, %select_n3A_130, %select_n3A_138 : vector<16xi1>, vector<16xf32>
      %select_n3A_140 = arith.select %gt3A_134, %broadcast_in_dim3A_132, %select_n3A_129 : vector<16xi1>, vector<16xi32>
      %select_n3A_141 = arith.select %gt3A_134, %gather3A_133, %select_n3A_130 : vector<16xi1>, vector<16xf32>
      %broadcast_in_dim3A_142 = arith.constant 12 : i32
      %broadcast_in_dim3A_143 = vector.broadcast %broadcast_in_dim3A_142 : i32 to vector<16xi32>
      %gather3A_144 = tpu.vector_load_idx %arg6[%add3A_20, %broadcast_in_dim3A_143] : memref<256x16xf32, #tpu.memory_space<vmem>>[vector<16xi32>, vector<16xi32>], vector<16xf32>,
      %gt3A_145 = arith.cmpf ogt, %gather3A_144, %select_n3A_141 : vector<16xf32>
      %gt3A_146 = arith.cmpf ogt, %gather3A_144, %select_n3A_139 : vector<16xf32>
      %select_n3A_147 = arith.select %gt3A_146, %broadcast_in_dim3A_143, %select_n3A_137 : vector<16xi1>, vector<16xi32>
      %select_n3A_148 = arith.select %gt3A_145, %select_n3A_140, %select_n3A_147 : vector<16xi1>, vector<16xi32>
      %select_n3A_149 = arith.select %gt3A_146, %gather3A_144, %select_n3A_139 : vector<16xi1>, vector<16xf32>
      %select_n3A_150 = arith.select %gt3A_145, %select_n3A_141, %select_n3A_149 : vector<16xi1>, vector<16xf32>
      %select_n3A_151 = arith.select %gt3A_145, %broadcast_in_dim3A_143, %select_n3A_140 : vector<16xi1>, vector<16xi32>
      %select_n3A_152 = arith.select %gt3A_145, %gather3A_144, %select_n3A_141 : vector<16xi1>, vector<16xf32>
      %broadcast_in_dim3A_153 = arith.constant 13 : i32
      %broadcast_in_dim3A_154 = vector.broadcast %broadcast_in_dim3A_153 : i32 to vector<16xi32>
      %gather3A_155 = tpu.vector_load_idx %arg6[%add3A_20, %broadcast_in_dim3A_154] : memref<256x16xf32, #tpu.memory_space<vmem>>[vector<16xi32>, vector<16xi32>], vector<16xf32>,
      %gt3A_156 = arith.cmpf ogt, %gather3A_155, %select_n3A_152 : vector<16xf32>
      %gt3A_157 = arith.cmpf ogt, %gather3A_155, %select_n3A_150 : vector<16xf32>
      %select_n3A_158 = arith.select %gt3A_157, %broadcast_in_dim3A_154, %select_n3A_148 : vector<16xi1>, vector<16xi32>
      %select_n3A_159 = arith.select %gt3A_156, %select_n3A_151, %select_n3A_158 : vector<16xi1>, vector<16xi32>
      %select_n3A_160 = arith.select %gt3A_157, %gather3A_155, %select_n3A_150 : vector<16xi1>, vector<16xf32>
      %select_n3A_161 = arith.select %gt3A_156, %select_n3A_152, %select_n3A_160 : vector<16xi1>, vector<16xf32>
      %select_n3A_162 = arith.select %gt3A_156, %broadcast_in_dim3A_154, %select_n3A_151 : vector<16xi1>, vector<16xi32>
      %select_n3A_163 = arith.select %gt3A_156, %gather3A_155, %select_n3A_152 : vector<16xi1>, vector<16xf32>
      %broadcast_in_dim3A_164 = arith.constant 14 : i32
      %broadcast_in_dim3A_165 = vector.broadcast %broadcast_in_dim3A_164 : i32 to vector<16xi32>
      %gather3A_166 = tpu.vector_load_idx %arg6[%add3A_20, %broadcast_in_dim3A_165] : memref<256x16xf32, #tpu.memory_space<vmem>>[vector<16xi32>, vector<16xi32>], vector<16xf32>,
      %gt3A_167 = arith.cmpf ogt, %gather3A_166, %select_n3A_163 : vector<16xf32>
      %gt3A_168 = arith.cmpf ogt, %gather3A_166, %select_n3A_161 : vector<16xf32>
      %select_n3A_169 = arith.select %gt3A_168, %broadcast_in_dim3A_165, %select_n3A_159 : vector<16xi1>, vector<16xi32>
      %select_n3A_170 = arith.select %gt3A_167, %select_n3A_162, %select_n3A_169 : vector<16xi1>, vector<16xi32>
      %select_n3A_171 = arith.select %gt3A_168, %gather3A_166, %select_n3A_161 : vector<16xi1>, vector<16xf32>
      %select_n3A_172 = arith.select %gt3A_167, %select_n3A_163, %select_n3A_171 : vector<16xi1>, vector<16xf32>
      %select_n3A_173 = arith.select %gt3A_167, %broadcast_in_dim3A_165, %select_n3A_162 : vector<16xi1>, vector<16xi32>
      %select_n3A_174 = arith.select %gt3A_167, %gather3A_166, %select_n3A_163 : vector<16xi1>, vector<16xf32>
      %broadcast_in_dim3A_175 = arith.constant 15 : i32
      %broadcast_in_dim3A_176 = vector.broadcast %broadcast_in_dim3A_175 : i32 to vector<16xi32>
      %gather3A_177 = tpu.vector_load_idx %arg6[%add3A_20, %broadcast_in_dim3A_176] : memref<256x16xf32, #tpu.memory_space<vmem>>[vector<16xi32>, vector<16xi32>], vector<16xf32>,
      %gt3A_178 = arith.cmpf ogt, %gather3A_177, %select_n3A_174 : vector<16xf32>
      %gt3A_179 = arith.cmpf ogt, %gather3A_177, %select_n3A_172 : vector<16xf32>
      %select_n3A_180 = arith.select %gt3A_179, %broadcast_in_dim3A_176, %select_n3A_170 : vector<16xi1>, vector<16xi32>
      %select_n3A_181 = arith.select %gt3A_178, %select_n3A_173, %select_n3A_180 : vector<16xi1>, vector<16xi32>
      %select_n3A_182 = arith.select %gt3A_179, %gather3A_177, %select_n3A_172 : vector<16xi1>, vector<16xf32>
      %select_n3A_183 = arith.select %gt3A_178, %select_n3A_174, %select_n3A_182 : vector<16xi1>, vector<16xf32>
      %select_n3A_184 = arith.select %gt3A_178, %broadcast_in_dim3A_176, %select_n3A_173 : vector<16xi1>, vector<16xi32>
      %select_n3A_185 = arith.select %gt3A_178, %gather3A_177, %select_n3A_174 : vector<16xi1>, vector<16xf32>
      %sub3A = arith.subf %select_n3A_183, %select_n3A_185 : vector<16xf32>
      %exp3A = math.exp %sub3A : vector<16xf32>
      %add3A_186 = arith.constant 1.000000e+00 : f32
      %add3A_187 = vector.broadcast %add3A_186 : f32 to vector<16xf32>
      %add3A_188 = arith.addf %add3A_187, %exp3A : vector<16xf32>
      %div3A = arith.constant 1.000000e+00 : f32
      %div3A_189 = vector.broadcast %div3A : f32 to vector<16xf32>
      %div3A_190 = arith.divf %div3A_189, %add3A_188 : vector<16xf32>
      %sub3A_191 = arith.constant 1.000000e+00 : f32
      %sub3A_192 = vector.broadcast %sub3A_191 : f32 to vector<16xf32>
      %sub3A_193 = arith.subf %sub3A_192, %div3A_190 : vector<16xf32>
      tpu.vector_store_idx %arg7[%add3A_20, %broadcast_in_dim3A_8], %select_n3A_184 : memref<256x2xi32, #tpu.memory_space<vmem>>[vector<16xi32>, vector<16xi32>], vector<16xi32>,
      tpu.vector_store_idx %arg7[%add3A_20, %broadcast_in_dim3A_10], %select_n3A_181 : memref<256x2xi32, #tpu.memory_space<vmem>>[vector<16xi32>, vector<16xi32>], vector<16xi32>,
      tpu.vector_store_idx %arg8[%add3A_20, %broadcast_in_dim3A_8], %div3A_190 : memref<256x2xf32, #tpu.memory_space<vmem>>[vector<16xi32>, vector<16xi32>], vector<16xf32>,
      tpu.vector_store_idx %arg8[%add3A_20, %broadcast_in_dim3A_10], %sub3A_193 : memref<256x2xf32, #tpu.memory_space<vmem>>[vector<16xi32>, vector<16xi32>], vector<16xf32>,
      tpu.vector_store_idx %arg9[%select_n3A_184], %broadcast_in_dim3A_6 {add = true} : memref<16xf32, #tpu.memory_space<vmem>>[vector<16xi32>], vector<16xf32>,
      tpu.vector_store_idx %arg9[%select_n3A_181], %broadcast_in_dim3A_6 {add = true} : memref<16xf32, #tpu.memory_space<vmem>>[vector<16xi32>], vector<16xf32>,
    }
    %scan3A_15 = arith.constant 16 : i32
    "tpu.region"() ({
      %run_scoped3A = tpu.sem_alloc : memref<!tpu.dma_semaphore, #tpu.memory_space<semaphore_mem>>
      %dma_start3A = arith.constant 0 : i32
      %dma_start3A_16 = tpu.memref_slice %arg3[%mul3A_2, %dma_start3A] : memref<8192x2xi32, #tpu.memory_space<hbm>> -> memref<256x2xi32, #tpu.memory_space<hbm>>
      %dma_start3A_17 = arith.constant 0 : i32
      %dma_start3A_18 = tpu.memref_slice %arg3[%mul3A_2, %dma_start3A_17] : memref<8192x2xi32, #tpu.memory_space<hbm>> -> memref<256x2xi32, #tpu.memory_space<hbm>>
      tpu.enqueue_dma source(%arg7 : memref<256x2xi32, #tpu.memory_space<vmem>>) target(%dma_start3A_18 : memref<256x2xi32, #tpu.memory_space<hbm>>) target_semaphore(%run_scoped3A : memref<!tpu.dma_semaphore, #tpu.memory_space<semaphore_mem>>)
      %dma_wait3A = arith.constant 0 : i32
      %dma_wait3A_19 = tpu.memref_slice %arg3[%mul3A_2, %dma_wait3A] : memref<8192x2xi32, #tpu.memory_space<hbm>> -> memref<256x2xi32, #tpu.memory_space<hbm>>
      %dma_wait3A_20 = arith.constant 0 : i32
      %dma_wait3A_21 = tpu.memref_slice %arg3[%mul3A_2, %dma_wait3A_20] : memref<8192x2xi32, #tpu.memory_space<hbm>> -> memref<256x2xi32, #tpu.memory_space<hbm>>
      tpu.wait_dma2 semaphore(%run_scoped3A : memref<!tpu.dma_semaphore, #tpu.memory_space<semaphore_mem>>) src(%arg7 : memref<256x2xi32, #tpu.memory_space<vmem>>) dst(%dma_wait3A_21 : memref<256x2xi32, #tpu.memory_space<hbm>>)
      tpu.yield
    }) : () -> ()
    "tpu.region"() ({
      %run_scoped3A = tpu.sem_alloc : memref<!tpu.dma_semaphore, #tpu.memory_space<semaphore_mem>>
      %dma_start3A = arith.constant 0 : i32
      %dma_start3A_16 = tpu.memref_slice %arg4[%mul3A_2, %dma_start3A] : memref<8192x2xf32, #tpu.memory_space<hbm>> -> memref<256x2xf32, #tpu.memory_space<hbm>>
      %dma_start3A_17 = arith.constant 0 : i32
      %dma_start3A_18 = tpu.memref_slice %arg4[%mul3A_2, %dma_start3A_17] : memref<8192x2xf32, #tpu.memory_space<hbm>> -> memref<256x2xf32, #tpu.memory_space<hbm>>
      tpu.enqueue_dma source(%arg8 : memref<256x2xf32, #tpu.memory_space<vmem>>) target(%dma_start3A_18 : memref<256x2xf32, #tpu.memory_space<hbm>>) target_semaphore(%run_scoped3A : memref<!tpu.dma_semaphore, #tpu.memory_space<semaphore_mem>>)
      %dma_wait3A = arith.constant 0 : i32
      %dma_wait3A_19 = tpu.memref_slice %arg4[%mul3A_2, %dma_wait3A] : memref<8192x2xf32, #tpu.memory_space<hbm>> -> memref<256x2xf32, #tpu.memory_space<hbm>>
      %dma_wait3A_20 = arith.constant 0 : i32
      %dma_wait3A_21 = tpu.memref_slice %arg4[%mul3A_2, %dma_wait3A_20] : memref<8192x2xf32, #tpu.memory_space<hbm>> -> memref<256x2xf32, #tpu.memory_space<hbm>>
      tpu.wait_dma2 semaphore(%run_scoped3A : memref<!tpu.dma_semaphore, #tpu.memory_space<semaphore_mem>>) src(%arg8 : memref<256x2xf32, #tpu.memory_space<vmem>>) dst(%dma_wait3A_21 : memref<256x2xf32, #tpu.memory_space<hbm>>)
      tpu.yield
    }) : () -> ()
    "tpu.region"() ({
      %run_scoped3A = tpu.sem_alloc : memref<!tpu.dma_semaphore, #tpu.memory_space<semaphore_mem>>
      %dma_start3A = arith.constant 0 : i32
      %dma_start3A_16 = tpu.memref_slice %arg5[%add3A, %dma_start3A] : memref<32x16xf32, #tpu.memory_space<hbm>> -> memref<1x16xf32, #tpu.memory_space<hbm>>
      %dma_start3A_17 = tpu.memref_squeeze %dma_start3A_16 : memref<1x16xf32, #tpu.memory_space<hbm>> -> memref<16xf32, #tpu.memory_space<hbm>>
      %dma_start3A_18 = arith.constant 0 : i32
      %dma_start3A_19 = tpu.memref_slice %arg5[%add3A, %dma_start3A_18] : memref<32x16xf32, #tpu.memory_space<hbm>> -> memref<1x16xf32, #tpu.memory_space<hbm>>
      %dma_start3A_20 = tpu.memref_squeeze %dma_start3A_19 : memref<1x16xf32, #tpu.memory_space<hbm>> -> memref<16xf32, #tpu.memory_space<hbm>>
      tpu.enqueue_dma source(%arg9 : memref<16xf32, #tpu.memory_space<vmem>>) target(%dma_start3A_20 : memref<16xf32, #tpu.memory_space<hbm>>) target_semaphore(%run_scoped3A : memref<!tpu.dma_semaphore, #tpu.memory_space<semaphore_mem>>)
      %dma_wait3A = arith.constant 0 : i32
      %dma_wait3A_21 = tpu.memref_slice %arg5[%add3A, %dma_wait3A] : memref<32x16xf32, #tpu.memory_space<hbm>> -> memref<1x16xf32, #tpu.memory_space<hbm>>
      %dma_wait3A_22 = tpu.memref_squeeze %dma_wait3A_21 : memref<1x16xf32, #tpu.memory_space<hbm>> -> memref<16xf32, #tpu.memory_space<hbm>>
      %dma_wait3A_23 = arith.constant 0 : i32
      %dma_wait3A_24 = tpu.memref_slice %arg5[%add3A, %dma_wait3A_23] : memref<32x16xf32, #tpu.memory_space<hbm>> -> memref<1x16xf32, #tpu.memory_space<hbm>>
      %dma_wait3A_25 = tpu.memref_squeeze %dma_wait3A_24 : memref<1x16xf32, #tpu.memory_space<hbm>> -> memref<16xf32, #tpu.memory_space<hbm>>
      tpu.wait_dma2 semaphore(%run_scoped3A : memref<!tpu.dma_semaphore, #tpu.memory_space<semaphore_mem>>) src(%arg9 : memref<16xf32, #tpu.memory_space<vmem>>) dst(%dma_wait3A_25 : memref<16xf32, #tpu.memory_space<hbm>>)
      tpu.yield
    }) : () -> ()
    return
  }
}

module attributes {stable_mosaic.version = 14 : i64} {
  func.func @_logits_body(%arg0: i32, %arg1: memref<1024x2048xf32, #tpu.memory_space<vmem>>, %arg2: memref<2048x16xf32, #tpu.memory_space<vmem>>, %arg3: memref<1x16xf32, #tpu.memory_space<vmem>>, %arg4: memref<1024x16xf32, #tpu.memory_space<vmem>>) attributes {dimension_semantics = [#tpu.dimension_semantics<arbitrary>], iteration_bounds = array<i64: 8>, scalar_prefetch = 0 : i64, scratch_operands = 0 : i64, tpu.core_type = #tpu.core_type<tc>, window_params = [{transform_indices = @transform_0, window_bounds = array<i64: 1024, 2048>}, {pipeline_mode = #tpu.pipeline_mode<synchronous>, transform_indices = @transform_1, window_bounds = array<i64: 2048, 16>}, {pipeline_mode = #tpu.pipeline_mode<synchronous>, transform_indices = @transform_2, window_bounds = array<i64: 1, 16>}, {transform_indices = @transform_3, window_bounds = array<i64: 1024, 16>}]} {
    %get3A = arith.constant 0 : index
    %get3A_0 = arith.constant 0 : index
    %get3A_1 = vector.load %arg1[%get3A, %get3A_0] : memref<1024x2048xf32, #tpu.memory_space<vmem>>, vector<1024x2048xf32>
    %get3A_2 = arith.constant 0 : index
    %get3A_3 = arith.constant 0 : index
    %get3A_4 = vector.load %arg2[%get3A_2, %get3A_3] : memref<2048x16xf32, #tpu.memory_space<vmem>>, vector<2048x16xf32>
    %dot_general3A = arith.constant dense<0.000000e+00> : vector<1024x16xf32>
    %dot_general3A_5 = tpu.matmul %get3A_1, %get3A_4, %dot_general3A {dimension_numbers = #tpu.dot_dimension_numbers<[1], [0], [0], [1], [0, 0, 1, 1], [], []>, transpose_lhs_hint = false} : vector<1024x2048xf32>, vector<2048x16xf32>, vector<1024x16xf32> -> vector<1024x16xf32>
    %get3A_6 = arith.constant 0 : index
    %get3A_7 = arith.constant 0 : index
    %get3A_8 = vector.load %arg3[%get3A_6, %get3A_7] : memref<1x16xf32, #tpu.memory_space<vmem>>, vector<1x16xf32>
    %add3A = vector.broadcast %get3A_8 : vector<1x16xf32> to vector<1024x16xf32>
    %add3A_9 = arith.addf %dot_general3A_5, %add3A : vector<1024x16xf32>
    %swap3A = arith.constant 0 : index
    %swap3A_10 = arith.constant 0 : index
    %swap3A_11 = vector.load %arg4[%swap3A, %swap3A_10] : memref<1024x16xf32, #tpu.memory_space<vmem>>, vector<1024x16xf32>
    tpu.vector_store %arg4[%swap3A, %swap3A_10], %add3A_9 {strides = array<i32>} : memref<1024x16xf32, #tpu.memory_space<vmem>>, vector<1024x16xf32>,
    return
  }
  func.func @transform_0(%arg0: i32) -> (i32, i32) {
    %c0_i32 = arith.constant 0 : i32
    %c0_i32_0 = arith.constant 0 : i32
    return %arg0, %c0_i32 : i32, i32
  }
  func.func @transform_1(%arg0: i32) -> (i32, i32) {
    %c0_i32 = arith.constant 0 : i32
    %c0_i32_0 = arith.constant 0 : i32
    %c0_i32_1 = arith.constant 0 : i32
    return %c0_i32, %c0_i32_0 : i32, i32
  }
  func.func @transform_2(%arg0: i32) -> (i32, i32) {
    %c0_i32 = arith.constant 0 : i32
    %c0_i32_0 = arith.constant 0 : i32
    %c0_i32_1 = arith.constant 0 : i32
    return %c0_i32, %c0_i32_0 : i32, i32
  }
  func.func @transform_3(%arg0: i32) -> (i32, i32) {
    %c0_i32 = arith.constant 0 : i32
    %c0_i32_0 = arith.constant 0 : i32
    return %arg0, %c0_i32 : i32, i32
  }
}

</mosaic_0001>

<sc_bundles>
// kernel: kernel.4.cloned.1.call-start
scs
__scs_entry_jumppad:
0x0: {  	(pc) =	sbr.rel $0x88, $3  }
0x1: {  	(tag) =	ssettag $0x0;
	lr =	simm.s32 $0x1  }
0x2: {  	[smem:$0x3F9E] =	sst lr;
	_ =	strace $0xD0000000  }
0x3: {  	_ = 	snop  }
0x4: {  	_ = 	snop  }
0x5: {  	_ = 	snop  }
0x6: {  	_ = 	snop  }
0x7: {  	_ = 	snop  }
__scs_overlays_trampoline_lowered:
0x8: {  	[smem:$0x3FAD] =	sst s0  }
0x9: {  	[smem:$0x3FAE] =	sst s1  }
0xa: {  	[smem:$0x3FAF] =	sst s2  }
0xb: {  	[smem:$0x3FB0] =	sst s3  }
0xc: {  	[smem:$0x3FB1] =	sst s4  }
0xd: {  	[smem:$0x3FB2] =	sst s5  }
0xe: {  	[smem:$0x3FB3] =	sst s6  }
0xf: {  	[smem:$0x3FB4] =	sst s7  }
0x10: {  	[smem:$0x3FB5] =	sst s8  }
0x11: {  	[smem:$0x3FB6] =	sst s9;
	s0 =	simm.s32 @!p0 $0x0  }
0x12: {  	s1 =	sld [smem:$0x3F9C];
	s0 =	simm.s32 @p0 $0x1  }
0x13: {  	[smem:$0x3FB7] =	sst s0;
	s0 =	simm.s32 @!p1 $0x0  }
0x14: {  	s2 =	sld [smem:$0x3F9B];
	s0 =	simm.s32 @p1 $0x1  }
0x15: {  	[smem:$0x3FB8] =	sst s0;
	s0 =	simm.s32 @!p2 $0x0  }
0x16: {  	s3 =	sld [smem:$0x3FDB];
	s0 =	simm.s32 @p2 $0x1  }
0x17: {  	s4 =	simm.s32 $0x1BF5;
	[smem:$0x3FBA] =	sst s0  }
0x18: {  	s0 =	sld [smem:$0x3F9D];
	_ =	swait.ge [sflag:s4], $0x0  }
0x19: {  	s7 =	sld [smem:$0x3F9E]  }
0x1a: {  	s8 =	sadd.s32 $0xFFFFE003, lr  }
0x1b: {  	s9 =	sadd.s32 $0xFFFFFEF7, lr;
	s5 =	simm.s32 $0xFFFFFFFF;
	p2 =	slt.u32 s8, $0xFFFFF086  }
0x1c: {  	p1 =	slt.u32 s9, $0xF7A;
	s5 =	simm.s32 @!p2 $0x0  }
0x1d: {  	s5 =	simm.s32 @p1 $0x1;
	p0 =	seq.s32 s7, s2  }
0x1e: {  	s7 =	smul.u32 @!p0 $0xF7A, s2;
	p2 =	seq.s32 @!p0 s5, $0x0  }
0x1f: {  	s9 =	smul.u32 $0xF7A, s1;
	s8 =	simm.s32 @!p0 $0x1BF5;
	p2 =	por !p2, p0  }
0x20: {  	[sflag:s8] =	ssyncset.s32 @!p0 $0xFFFFF086;
	s6 =	sadd.s32 @!p0 s3, s7;
	s7 =	simm.s32 @!p0 $0x108  }
0x21: {  	s3 =	sadd.s32 s3, s9;
	s6 =	sadd.s32 @!p0 $0x88, s6;
	s7 =	simm.s32 @p2 $0x1082  }
0x22: {  	[simem:s7], [sflag:s8] =	dma.local @!p0 [hbm:s6], $0xF7A  }
0x23: {  	s9 =	sor.u32 $0xD0000000, s2;
	s6 =	simm.s32 $0x108;
	_ =	swait.ge @!p0 [sflag:s8], $0x0  }
0x24: {  	s3 =	sadd.s32 $0x88, s3;
	s6 =	simm.s32 @!p1 $0x1082;
	[sflag:s4] =	ssyncset.s32 $0xFFFFF086  }
0x25: {  	[simem:s6], [sflag:s4] =	dma.local [hbm:s3], $0xF7A  }
0x26: {  	[smem:$0x3F9E] =	sst s1;
	(tag) =	ssettag s2;
	_ =	strace s9  }
0x27: {  	s1 =	sld [smem:$0x3FAE]  }
0x28: {  	s2 =	sld [smem:$0x3FAF]  }
0x29: {  	s4 =	sld [smem:$0x3FB1]  }
0x2a: {  	p0 =	seq.s32 s5, $0x0;
	s5 =	sld [smem:$0x3FB2]  }
0x2b: {  	s6 =	sld [smem:$0x3FB3]  }
0x2c: {  	s7 =	sld [smem:$0x3FB4]  }
0x2d: {  	s3 =	simm.s32 $0x108;
	s8 =	sld [smem:$0x3FB5]  }
0x2e: {  	s3 =	simm.s32 @!p0 $0x1082;
	s9 =	sld [smem:$0x3FB6]  }
0x2f: {  	lr =	sadd.s32 s0, s3;
	s0 =	sld [smem:$0x3FAD]  }
0x30: {  	s3 =	sld [smem:$0x3FB0]  }
0x31: {  	[smem:$0x3FB9] =	sst s10  }
0x32: {  	s10 =	sld [smem:$0x3FB7];
	_ =	sdelay $0x3  }
0x33: {  	p0 =	seq.s32 s10, $0x1;
	s10 =	sld [smem:$0x3FB9];
	_ =	sdelay $0x3  }
0x34: {  	[smem:$0x3FB9] =	sst s10  }
0x35: {  	s10 =	sld [smem:$0x3FB8];
	_ =	sdelay $0x3  }
0x36: {  	p1 =	seq.s32 s10, $0x1;
	s10 =	sld [smem:$0x3FB9];
	_ =	sdelay $0x3  }
0x37: {  	[smem:$0x3FB9] =	sst s10  }
0x38: {  	s10 =	sld [smem:$0x3FBA]  }
0x39: {  	_ = 	snop;
	(pc) =	sbr.ind lr, $3  }
0x3a: {  	_ = 	snop  }
0x3b: {  	_ = 	snop  }
0x3c: {  	p2 =	seq.s32 s10, $0x1;
	s10 =	sld [smem:$0x3FB9]  }
0x3d: {  	_ =	shalt  }
0x3e: {  	_ =	shalt  }
0x3f: {  	_ =	shalt  }
0x40: {  	_ =	shalt  }
0x41: {  	_ =	shalt  }
0x42: {  	_ =	shalt  }
0x43: {  	_ =	shalt  }
0x44: {  	_ =	shalt  }
0x45: {  	_ =	shalt  }
0x46: {  	_ =	shalt  }
0x47: {  	_ =	shalt  }
0x48: {  	_ =	shalt  }
0x49: {  	_ =	shalt  }
0x4a: {  	_ =	shalt  }
0x4b: {  	_ =	shalt  }
0x4c: {  	_ =	shalt  }
0x4d: {  	_ =	shalt  }
0x4e: {  	_ =	shalt  }
0x4f: {  	_ =	shalt  }
0x50: {  	_ =	shalt  }
0x51: {  	_ =	shalt  }
0x52: {  	_ =	shalt  }
0x53: {  	_ =	shalt  }
0x54: {  	_ =	shalt  }
0x55: {  	_ =	shalt  }
0x56: {  	_ =	shalt  }
0x57: {  	_ =	shalt  }
0x58: {  	_ =	shalt  }
0x59: {  	_ =	shalt  }
0x5a: {  	_ =	shalt  }
0x5b: {  	_ =	shalt  }
0x5c: {  	_ =	shalt  }
0x5d: {  	_ =	shalt  }
0x5e: {  	_ =	shalt  }
0x5f: {  	_ =	shalt  }
0x60: {  	_ =	shalt  }
0x61: {  	_ =	shalt  }
0x62: {  	_ =	shalt  }
0x63: {  	_ =	shalt  }
0x64: {  	_ =	shalt  }
0x65: {  	_ =	shalt  }
0x66: {  	_ =	shalt  }
0x67: {  	_ =	shalt  }
0x68: {  	_ =	shalt  }
0x69: {  	_ =	shalt  }
0x6a: {  	_ =	shalt  }
0x6b: {  	_ =	shalt  }
0x6c: {  	_ =	shalt  }
0x6d: {  	_ =	shalt  }
0x6e: {  	_ =	shalt  }
0x6f: {  	_ =	shalt  }
0x70: {  	_ =	shalt  }
0x71: {  	_ =	shalt  }
0x72: {  	_ =	shalt  }
0x73: {  	_ =	shalt  }
0x74: {  	_ =	shalt  }
0x75: {  	_ =	shalt  }
0x76: {  	_ =	shalt  }
0x77: {  	_ =	shalt  }
0x78: {  	_ =	shalt  }
0x79: {  	_ =	shalt  }
0x7a: {  	_ =	shalt  }
0x7b: {  	_ =	shalt  }
0x7c: {  	_ =	shalt  }
0x7d: {  	_ =	shalt  }
0x7e: {  	_ =	shalt  }
0x7f: {  	_ =	shalt  }
0x80: {  	_ =	shalt  }
0x81: {  	_ =	shalt  }
0x82: {  	_ =	shalt  }
0x83: {  	_ =	shalt  }
0x84: {  	_ =	shalt  }
0x85: {  	_ =	shalt  }
0x86: {  	_ =	shalt  }
0x87: {  	_ =	shalt  }
.Lfunc_end0:
.L_simem_size_0:
called_computation_lowered:
.L_overlay_start_0:
0x88: {  	s2 =	sld [smem:$0x3FD9]  }
0x89: {  	s3 =	sld [smem:$0x3FFE];
	_ =	sdelay $0x1  }
0x8a: {  	s1 =	srdreg.scid  }
0x8b: {  	s0 =	sand.u32 $0x1, s1  }
0x8c: {  	s16 =	sshll.u32 s0, $0xA;
	s2 =	sadd.s32 s3, s2  }
0x8d: {  	s2 =	sadd.s32 s2, s16  }
0x8e: {  	[smem:$0x3FC5] =	sst s2  }
0x8f: {  	_ = 	snop  }
0x90: {  	(tm) =	ssettm $0x1  }
0x91: {  	s17 =	sld [smem:$0x3FFB];
	_ =	sdelay $0x3  }
0x92: {  	_ =	strace s17  }
0x93: {  	s2 =	sld [smem:$0x3FFC];
	_ =	sdelay $0x3  }
0x94: {  	_ =	strace s2  }
0x95: {  	s2 =	sld [smem:$0x3FFD];
	_ =	sdelay $0x3  }
0x96: {  	_ =	strace s2  }
0x97: {  	_ =	strace $0x8FFFFFFF  }
0x98: {  	s18 =	sld [smem:$0x3FDB];
	_ =	sdelay $0x1  }
0x99: {  	s19 =	simm.s32 $_scs_section_size  }
0x9a: {  	s4 =	simm.s32 $_size__tile_overlayer_lowered;
	s5 =	simm.s32 $_tile_overlayer_lowered  }
0x9b: {  	s22 =	simm.s32 $0x1BFF;
	s21 =	sshll.u32 s5, $0x1;
	s2 =	sadd.s32 s19, s18  }
0x9c: {  	s6 =	simm.s32 $0x0;
	s20 =	sshll.u32 s4, $0x1;
	s4 =	sadd.s32 s21, s2  }
0x9d: {  	[timem:s6], [sflag:s22] =	dma.local [hbm:s4], s20  }
0x9e: {  	_ =	swait.ge [sflag:s22], s20  }
0x9f: {  	s3 =	ssub.s32 $0x0, s20;
	[sflag:s22] =	ssyncset.done $0x0  }
0xa0: {  	[sflag:s22] =	ssyncadd.s32 s3;
	_ =	sdelay $0x1  }
0xa1: {  	s23 =	simm.s32 $0x1B8B  }
0xa2: {  	_ =	swait.ge [sflag:s23], $0x1  }
0xa3: {  	[sflag:s23] =	ssyncset.done $0x0  }
0xa4: {  	s25 =	simm.s32 $0x1B8E;
	s24 =	sld [smem:$0x3FFE];
	[sflag:s23] =	ssyncadd.s32 $0xFFFFFFFF  }
0xa5: {  	s26 =	simm.s32 $execute0_lowered;
	[smem:$0x3FD2] =	sst s25  }
0xa6: {  	s4 =	sshll.u32 s26, $0x1;
	_ =	strace $0x80000046;
	[dreg:$0x1] =	wrdreg $0xFFFFFFFF  }
0xa7: {  	s28 =	simm.s32 $_size_execute0_lowered;
	s2 =	sadd.s32 s2, s4;
	[dreg:$0x0] =	wrdreg $0x0  }
0xa8: {  	s4 =	sshll.u32 s28, $0x1;
	[dreg:$0x2] =	wrdreg s2  }
0xa9: {  	[dreg:$0x3] =	wrdreg s4  }
0xaa: {  	[dreg:$0x4] =	wrdreg $0xC0  }
0xab: {  	_ =	task [dreg:s6], $0x5FFFF  }
0xac: {  	[dreg:$0x1] =	wrdreg $0xFFFFFFFF  }
0xad: {  	[dreg:$0x0] =	wrdreg $0x60  }
0xae: {  	[dreg:$0x2] =	wrdreg s24  }
0xaf: {  	[dreg:$0x3] =	wrdreg $0x9  }
0xb0: {  	_ =	task.clear_ibuf [dreg:s6], $0x4FFFF;
	_ =	strace $0x90000046  }
0xb1: {  	s29 =	simm.s32 $0x9;
	_ =	strace $0x80000048  }
0xb2: {  	_ =	swait.ge [sflag:s29], $0x1  }
0xb3: {  	[sflag:s29] =	ssyncadd.s32 $0xFFFFFFFF  }
0xb4: {  	_ =	strace $0x90000048  }
0xb5: {  	_ =	sfence  }
0xb6: {  	s30 =	sld [smem:$0x0];
	_ =	sdelay $0x2  }
0xb7: {  	s31 =	sshll.u32 s1, $0xD;
	s1 =	sshrl.u32 s1, $0x2  }
0xb8: {  	s3 =	sand.u32 $0x4000, s31;
	s1 =	sadd.s32 s1, s30  }
0xb9: {  	s0 =	sor.u32 s3, s0;
	s1 =	sshll.u32 s1, $0x11  }
0xba: {  	s0 =	sor.u32 s1, s0  }
0xbb: {  	s0 =	sadd.s32 $0x8F2B, s0  }
0xbc: {  	[sflag:s0] =	ssyncadd.remote.s32 $0x1  }
0xbd: {  	_ =	sfence.sel $0xFFFF  }
0xbe: {  	[dreg:$0x0] =	wrdreg $0xFFFFFFFF;
	(pc) =	sbr.abs _section_cstart, $3  }
0xbf: {  	[dreg:$0x1] =	wrdreg $0xFFFFFFFF  }
0xc0: {  	_ =	task.clear_ibuf [dreg:s6], $0x2FFFF;
	_ =	strace $0x9FFFFFFF  }
0xc1: {  	(tm) =	ssettm $0x7FFFFFFF  }
tec
execute0_lowered:
.L_overlay_start_1:
0x0: {  	(tag) =	ssettag $0x1  }
0x1: {  	s3 =	rddreg [dreg:$0x0]  }
0x2: {  	s0 =	rddreg [dreg:$0x1];
	s4 =	srdreg.scid  }
0x3: {  	s1 =	stileid.u32;
	s2 =	simm.s32 $0x0;
	s9 =	simm.s32 $0x8000  }
0x4: {  	s10 =	simm.s32 $0x10000;
	s11 =	simm.s32 $0x18000;
	s12 =	simm.s32 $0x0  }
0x5: {  	s4 =	sand.u32 $0x1, s4;
	s5 =	sshll.u32 s1, $0x1;
	[smem:$0x7FF] =	sst s2  }
0x6: {  	s5 =	sor.u32 s4, s5;
	_ =	strace $0x80000047;
	s4 =	ssub.s32 $0x2, s4  }
0x7: {  	s6 =	sshll.u32 s5, $0xC;
	s5 =	sshll.u32 s5, $0x4;
	s7 =	sshrl.u32 s4, $0x1  }
0x8: {  	s6 =	sadd.s32 s6, s3;
	s8 =	sadd.s32 s5, s3;
	s7 =	ssub.s32 s4, s7  }
0x9: {  	v0 =	vimm.f32 $0.0e+00;
	v1 =	vlaneseq.u32;
	s3 =	sadd.s32 $0xC00, s6;
	s4 =	sadd.s32 $0x20C00, s6;
	s5 =	sadd.s32 $0x40C00, s6  }
0xa: {  	v2 =	vimm.s32 $0x0;
	v3 =	vimm.f32 $1.000000000e+00;
	v1 =	vmul.u32 $0x80, v1;
	s6 =	sadd.s32 $0x60C00, s8;
	s7 =	smax.u32 s7, $0x1;
	s8 =	simm.s32 $0x1  }
.LBB2_1:
0xb: {  	v4 =	vmov s2  }
0xc: {  	v4 =	vshll.u32 v4, $0x7  }
0xd: {  	v6 =	vor.u32 v1, v4  }
0xe: {  	[tilespmem:s2], [sflag:$0x1] =	stream.linear.gather [hbm4b:s3+s2], $0x8000, $0x38;
	v5 =	vor.u32 $0x1, v6;
	[tilespmem:$0x18080] =	vst v63  }
0xf: {  	_ =	swait.ge [sflag:s8], $0x8000  }
0x10: {  	[sflag:s8] =	ssyncset.done $0x0  }
0x11: {  	[sflag:s8] =	ssyncadd.s32 $0xFFFF8000  }
0x12: {  	[tilespmem:$0x18000] =	vst v0  }
0x13: {  	v4 =	vor.u32 $0x2, v6;
	v7 =	vld.idx.msk [tilespmem:v5+s2+$0x0], $0xffff;
	_ =	sdelay $0x1  }
0x14: {  	v8 =	vld.idx.msk [tilespmem:v6+s2+$0x0], $0xffff;
	_ =	sdelay $0x1  }
0x15: {  	v9 =	vor.u32 $0x3, v6  }
0x16: {  	v4 =	vld.idx.msk [tilespmem:v4+s2+$0x0], $0xffff;
	vm0 =	vlt.f32 v7, $-Inf;
	vm1 =	vgt.f32 v7, $-Inf  }
0x17: {  	v11 =	vimm.s32 $0x0;
	vm0 =	vmor vm1, vm0  }
0x18: {  	v10 =	vor.u32 $0x4, v6;
	vm11 =	vgt.f32 v7, v8;
	v11 =	vsel vm0, $0xFFFFFFFF, v11  }
0x19: {  	vm13 =	vmneg vm11;
	[tilespmem:$0x1FF30] =	vst v11;
	v11 =	vnsel vm0, $0xFF800000, v7  }
0x1a: {  	v9 =	vld.idx.msk [tilespmem:v9+s2+$0x0], $0xffff;
	v11 =	vsel vm13, v11, v8  }
0x1b: {  	v7 =	vsel vm13, v8, v7;
	v8 =	vimm.s32 $0x0;
	vm7 =	vgt.f32 v4, v11  }
0x1c: {  	v12 =	vor.u32 $0x5, v6;
	v8 =	vsel vm7, $0xFFFFFFFF, v8  }
0x1d: {  	vm10 =	vgt.f32 v4, v7;
	[tilespmem:$0x1FF40] =	vst v8;
	v8 =	vld.idx.msk [tilespmem:v10+s2+$0x0], $0xffff;
	v10 =	vsel vm7, v4, v11  }
0x1e: {  	v10 =	vsel vm10, v7, v10  }
0x1f: {  	v4 =	vsel vm10, v4, v7;
	v7 =	vimm.s32 $0x0;
	vm12 =	vgt.f32 v9, v10  }
0x20: {  	v11 =	vor.u32 $0x6, v6;
	v7 =	vsel vm12, $0xFFFFFFFF, v7  }
0x21: {  	vm8 =	vgt.f32 v9, v4;
	v10 =	vsel vm12, v9, v10;
	[tilespmem:$0x1FF50] =	vst v7;
	v7 =	vld.idx.msk [tilespmem:v12+s2+$0x0], $0xffff  }
0x22: {  	v12 =	vor.u32 $0x7, v6;
	v10 =	vsel vm8, v4, v10  }
0x23: {  	v4 =	vsel vm8, v9, v4;
	v9 =	vimm.s32 $0x0;
	vm14 =	vgt.f32 v8, v10  }
0x24: {  	vm7 =	vgt.f32 v8, v4;
	v9 =	vsel vm14, $0xFFFFFFFF, v9;
	v10 =	vsel vm14, v8, v10  }
0x25: {  	[tilespmem:$0x1FF60] =	vst v9;
	v9 =	vld.idx.msk [tilespmem:v11+s2+$0x0], $0xffff;
	v10 =	vsel vm7, v4, v10  }
0x26: {  	v4 =	vsel vm7, v8, v4;
	v8 =	vimm.s32 $0x0;
	vm15 =	vgt.f32 v7, v10  }
0x27: {  	v11 =	vor.u32 $0x8, v6;
	v8 =	vsel vm15, $0xFFFFFFFF, v8  }
0x28: {  	vm9 =	vgt.f32 v7, v4;
	v10 =	vsel vm15, v7, v10;
	[tilespmem:$0x1FF70] =	vst v8;
	v8 =	vld.idx.msk [tilespmem:v12+s2+$0x0], $0xffff  }
0x29: {  	v12 =	vor.u32 $0x9, v6;
	v10 =	vsel vm9, v4, v10  }
0x2a: {  	v4 =	vsel vm9, v7, v4;
	v7 =	vimm.s32 $0x0;
	vm4 =	vgt.f32 v9, v10  }
0x2b: {  	vm12 =	vgt.f32 v9, v4;
	v7 =	vsel vm4, $0xFFFFFFFF, v7;
	v10 =	vsel vm4, v9, v10  }
0x2c: {  	[tilespmem:$0x1FF80] =	vst v7;
	v7 =	vld.idx.msk [tilespmem:v11+s2+$0x0], $0xffff;
	v10 =	vsel vm12, v4, v10  }
0x2d: {  	v4 =	vsel vm12, v9, v4;
	v9 =	vimm.s32 $0x0;
	vm5 =	vgt.f32 v8, v10  }
0x2e: {  	v11 =	vor.u32 $0xA, v6;
	v9 =	vsel vm5, $0xFFFFFFFF, v9  }
0x2f: {  	vm14 =	vgt.f32 v8, v4;
	v10 =	vsel vm5, v8, v10;
	[tilespmem:$0x1FF90] =	vst v9;
	v9 =	vld.idx.msk [tilespmem:v12+s2+$0x0], $0xffff  }
0x30: {  	v12 =	vor.u32 $0xB, v6;
	v10 =	vsel vm14, v4, v10  }
0x31: {  	v4 =	vsel vm14, v8, v4;
	v8 =	vimm.s32 $0x0;
	vm6 =	vgt.f32 v7, v10  }
0x32: {  	v8 =	vsel vm6, $0xFFFFFFFF, v8;
	v10 =	vsel vm6, v7, v10;
	vm6 =	vgt.f32 v7, v4  }
0x33: {  	[tilespmem:$0x1FFA0] =	vst v8;
	v8 =	vld.idx.msk [tilespmem:v11+s2+$0x0], $0xffff;
	v10 =	vsel vm6, v4, v10  }
0x34: {  	v4 =	vsel vm6, v7, v4;
	v7 =	vimm.s32 $0x0;
	vm15 =	vgt.f32 v9, v10  }
0x35: {  	v11 =	vor.u32 $0xC, v6;
	v7 =	vsel vm15, $0xFFFFFFFF, v7  }
0x36: {  	vm5 =	vgt.f32 v9, v4;
	v10 =	vsel vm15, v9, v10;
	[tilespmem:$0x1FFB0] =	vst v7;
	v7 =	vld.idx.msk [tilespmem:v12+s2+$0x0], $0xffff  }
0x37: {  	v12 =	vor.u32 $0xD, v6;
	v10 =	vsel vm5, v4, v10  }
0x38: {  	v4 =	vsel vm5, v9, v4;
	v9 =	vimm.s32 $0x0;
	vm4 =	vgt.f32 v8, v10  }
0x39: {  	v9 =	vsel vm4, $0xFFFFFFFF, v9;
	v10 =	vsel vm4, v8, v10;
	vm4 =	vgt.f32 v8, v4  }
0x3a: {  	[tilespmem:$0x1FFC0] =	vst v9;
	v9 =	vld.idx.msk [tilespmem:v11+s2+$0x0], $0xffff;
	v10 =	vsel vm4, v4, v10  }
0x3b: {  	v4 =	vsel vm4, v8, v4;
	v8 =	vimm.s32 $0x0;
	vm15 =	vgt.f32 v7, v10  }
0x3c: {  	v8 =	vsel vm15, $0xFFFFFFFF, v8  }
0x3d: {  	vm3 =	vgt.f32 v7, v4;
	v10 =	vsel vm15, v7, v10;
	[tilespmem:$0x1FFD0] =	vst v8;
	v8 =	vld.idx.msk [tilespmem:v12+s2+$0x0], $0xffff  }
0x3e: {  	v11 =	vor.u32 $0xE, v6;
	v10 =	vsel vm3, v4, v10  }
0x3f: {  	v4 =	vsel vm3, v7, v4;
	vm15 =	vgt.f32 v9, v10  }
0x40: {  	vm2 =	vgt.f32 v9, v4;
	v10 =	vsel vm15, v9, v10  }
0x41: {  	v7 =	vimm.s32 $0x0;
	v10 =	vsel vm2, v4, v10  }
0x42: {  	v7 =	vsel vm15, $0xFFFFFFFF, v7;
	v4 =	vsel vm2, v9, v4;
	vm15 =	vgt.f32 v8, v10  }
0x43: {  	[tilespmem:$0x1FFE0] =	vst v7;
	v7 =	vld.idx.msk [tilespmem:v11+s2+$0x0], $0xffff;
	vm1 =	vgt.f32 v8, v4;
	v10 =	vsel vm15, v8, v10  }
0x44: {  	v10 =	vsel vm1, v4, v10;
	v4 =	vsel vm1, v8, v4;
	v8 =	vld [tilespmem:$0x1FF30];
	_ =	sdelay $0x3  }
0x45: {  	v12 =	vor.u32 $0xF, v6;
	v9 =	vimm.s32 $0x0  }
0x46: {  	v9 =	vsel vm15, $0xFFFFFFFF, v9;
	vm15 =	vgt.f32 v7, v10;
	vm0 =	vnez.u8 v8  }
0x47: {  	v8 =	vsel vm15, v7, v10;
	vm0 =	vmand vm13, vm0;
	vm13 =	vgt.f32 v7, v4  }
0x48: {  	v8 =	vsel vm13, v4, v8;
	v4 =	vsel vm13, v7, v4;
	v7 =	vld [tilespmem:$0x1FF40];
	_ =	sdelay $0x2  }
0x49: {  	[tilespmem:$0x1FFF0] =	vst v9;
	v9 =	vld.idx.msk [tilespmem:v12+s2+$0x0], $0xffff;
	_ =	sdelay $0x1  }
0x4a: {  	v10 =	vsel vm0, $0x1, v2;
	vm0 =	vnez.u8 v7  }
0x4b: {  	v7 =	vsel vm0, $0x2, v10;
	v10 =	vld [tilespmem:$0x1FF50];
	_ =	sdelay $0x1  }
0x4c: {  	v11 =	vsel vm11, $0x1, v2;
	vm11 =	vgt.f32 v9, v8  }
0x4d: {  	v8 =	vsel vm11, v9, v8;
	vm0 =	vgt.f32 v9, v4  }
0x4e: {  	v8 =	vsel vm0, v4, v8;
	v4 =	vsel vm0, v9, v4  }
0x4f: {  	v7 =	vsel vm10, v11, v7;
	v9 =	vsel vm10, $0x2, v11;
	vm10 =	vnez.u8 v10  }
0x50: {  	v7 =	vsel vm10, $0x3, v7  }
0x51: {  	v4 =	vsub.f32 v8, v4;
	v8 =	vsel vm8, $0x3, v9;
	v7 =	vsel vm8, v9, v7;
	v9 =	vld [tilespmem:$0x1FF60];
	_ =	sdelay $0x4  }
0x52: {  	vm8 =	vnez.u8 v9;
	v9 =	vld [tilespmem:$0x1FF70];
	_ =	sdelay $0x3  }
0x53: {  	v7 =	vsel vm8, $0x4, v7  }
0x54: {  	v4 =	vmul.f32 $1.442695020e+00, v4;
	v7 =	vsel vm7, v8, v7;
	vm8 =	vnez.u8 v9  }
0x55: {  	v8 =	vsel vm7, $0x4, v8;
	v7 =	vsel vm8, $0x5, v7  }
0x56: {  	(erf) = vpow2.f32 v4;
	v4 =	vsel vm9, v8, v7;
	v7 =	vsel vm9, $0x5, v8;
	v8 =	vld [tilespmem:$0x1FF80];
	_ =	sdelay $0x4  }
0x57: {  	vm9 =	vnez.u8 v8;
	v8 =	vld [tilespmem:$0x1FF90];
	_ =	sdelay $0x4  }
0x58: {  	vm10 =	vnez.u8 v8;
	v8 =	vld [tilespmem:$0x1FFA0];
	_ =	sdelay $0x3  }
0x59: {  	v4 =	vsel vm9, $0x6, v4  }
0x5a: {  	v4 =	vsel vm12, v7, v4;
	v7 =	vsel vm12, $0x6, v7;
	vm12 =	vnez.u8 v8;
	v8 =	vld [tilespmem:$0x1FFB0];
	_ =	sdelay $0x3  }
0x5b: {  	v9 =	vld [tilespmem:$0x1FFC0];
	v4 =	vsel vm10, $0x7, v4  }
0x5c: {  	v4 =	vsel vm14, v7, v4;
	v7 =	vsel vm14, $0x7, v7;
	vm14 =	vnez.u8 v8;
	v8 =	vpop (erf)  }
0x5d: {  	v8 =	vadd.f32 $1.000000000e+00, v8;
	_ =	sdelay $0x1  }
0x5e: {  	(erf) = vrcp.f32 v8;
	v8 =	vld [tilespmem:$0x1FFE0]  }
0x5f: {  	vm9 =	vnez.u8 v9;
	v9 =	vld [tilespmem:$0x1FFD0];
	v4 =	vsel vm12, $0x8, v4  }
0x60: {  	v4 =	vsel vm6, v7, v4  }
0x61: {  	v7 =	vsel vm6, $0x8, v7;
	v4 =	vsel vm14, $0x9, v4  }
0x62: {  	v4 =	vsel vm5, v7, v4  }
0x63: {  	v7 =	vsel vm5, $0x9, v7;
	v4 =	vsel vm9, $0xA, v4;
	vm12 =	vnez.u8 v8;
	v8 =	vld [tilespmem:$0x1FFF0]  }
0x64: {  	vm10 =	vnez.u8 v9;
	v4 =	vsel vm4, v7, v4  }
0x65: {  	v7 =	vsel vm4, $0xA, v7;
	v4 =	vsel vm10, $0xB, v4  }
0x66: {  	v4 =	vsel vm3, v7, v4  }
0x67: {  	v7 =	vsel vm3, $0xB, v7;
	v4 =	vsel vm12, $0xC, v4  }
0x68: {  	v4 =	vsel vm2, v7, v4;
	vm14 =	vnez.u8 v8  }
0x69: {  	v7 =	vsel vm2, $0xC, v7;
	v4 =	vsel vm14, $0xD, v4  }
0x6a: {  	v4 =	vsel vm1, v7, v4  }
0x6b: {  	v7 =	vsel vm1, $0xD, v7;
	v4 =	vsel vm15, $0xE, v4  }
0x6c: {  	s13 =	simm.s32 $0x10;
	v4 =	vsel vm13, v7, v4;
	v7 =	vsel vm13, $0xE, v7  }
0x6d: {  	v8 =	vmov s13  }
0x6e: {  	v9 =	vshll.u32 v8, $0x7;
	v4 =	vsel vm11, $0xF, v4;
	v10 =	vsel vm0, $0xF, v7  }
0x6f: {  	v8 =	vsel vm0, v7, v4;
	[tilespmem:v6+s9+$0x0] =	vst.idx.msk $0xffff, v10;
	v4 =	vor.u32 v1, v9;
	v7 =	vpop (erf)  }
0x70: {  	[tilespmem:v5+s9+$0x0] =	vst.idx.msk $0xffff, v8;
	v20 =	vor.u32 $0x1, v4;
	v19 =	vor.u32 $0x2, v4;
	v9 =	vsub.f32 $1.000000000e+00, v7  }
0x71: {  	v18 =	vor.u32 $0x3, v4;
	v17 =	vor.u32 $0x4, v4;
	v16 =	vor.u32 $0x5, v4;
	[tilespmem:v6+s10+$0x0] =	vst.idx.msk $0xffff, v7  }
0x72: {  	v15 =	vor.u32 $0x6, v4;
	v14 =	vor.u32 $0x7, v4;
	v11 =	vor.u32 $0x8, v4;
	[tilespmem:v5+s10+$0x0] =	vst.idx.msk $0xffff, v9  }
0x73: {  	s13 =	simm.s32 $0x20;
	v7 =	vor.u32 $0xA, v4;
	v6 =	vor.u32 $0xB, v4;
	v9 =	vor.u32 $0x9, v4;
	v5 =	vmovc v20;
	[tilespmem:v10+s11+$0x0] =	vst.idx.add.f32.msk $0xffff, v3  }
.LBB2_2:
0x74: {  	p0 =	sne.s32 s13, $0xF0;
	v13 =	vor.u32 $0xC, v4;
	v12 =	vor.u32 $0xD, v4;
	v10 =	vor.u32 $0xE, v4;
	[tilespmem:v8+s11+$0x0] =	vst.idx.add.f32.msk $0xffff, v3;
	s14 =	smov.u32 s13;
	s13 =	sadd.s32 $0x10, s13  }
0x75: {  	v8 =	vor.u32 $0xF, v4;
	v20 =	vld.idx.msk [tilespmem:v20+s2+$0x0], $0xffff  }
0x76: {  	v21 =	vld.idx.msk [tilespmem:v4+s2+$0x0], $0xffff;
	_ =	sdelay $0x2  }
0x77: {  	v19 =	vld.idx.msk [tilespmem:v19+s2+$0x0], $0xffff;
	_ =	sdelay $0x1  }
0x78: {  	vm0 =	vlt.f32 v20, $-Inf;
	vm1 =	vgt.f32 v20, $-Inf  }
0x79: {  	vm2 =	vgt.f32 v20, v21;
	vm0 =	vmor vm1, vm0;
	v18 =	vld.idx.msk [tilespmem:v18+s2+$0x0], $0xffff  }
0x7a: {  	vm1 =	vmneg vm2;
	v22 =	vnsel vm0, $0xFF800000, v20  }
0x7b: {  	vm0 =	vmand vm1, vm0;
	v22 =	vsel vm1, v22, v21;
	v20 =	vsel vm1, v21, v20  }
0x7c: {  	v23 =	vsel vm2, $0x1, v2;
	v21 =	vsel vm0, $0x1, v2;
	vm0 =	vgt.f32 v19, v22;
	v17 =	vld.idx.msk [tilespmem:v17+s2+$0x0], $0xffff  }
0x7d: {  	vm1 =	vgt.f32 v19, v20;
	v21 =	vsel vm0, $0x2, v21;
	v22 =	vsel vm0, v19, v22  }
0x7e: {  	v19 =	vsel vm1, v19, v20;
	v21 =	vsel vm1, v23, v21;
	v22 =	vsel vm1, v20, v22  }
0x7f: {  	v20 =	vsel vm1, $0x2, v23;
	vm0 =	vgt.f32 v18, v22;
	v16 =	vld.idx.msk [tilespmem:v16+s2+$0x0], $0xffff  }
0x80: {  	vm1 =	vgt.f32 v18, v19;
	v21 =	vsel vm0, $0x3, v21;
	v22 =	vsel vm0, v18, v22  }
0x81: {  	v21 =	vsel vm1, v20, v21;
	v22 =	vsel vm1, v19, v22  }
0x82: {  	v18 =	vsel vm1, v18, v19;
	v20 =	vsel vm1, $0x3, v20;
	vm0 =	vgt.f32 v17, v22;
	v15 =	vld.idx.msk [tilespmem:v15+s2+$0x0], $0xffff  }
0x83: {  	vm1 =	vgt.f32 v17, v18;
	v19 =	vsel vm0, $0x4, v21;
	v21 =	vsel vm0, v17, v22  }
0x84: {  	v19 =	vsel vm1, v20, v19;
	v21 =	vsel vm1, v18, v21  }
0x85: {  	v17 =	vsel vm1, v17, v18;
	vm0 =	vgt.f32 v16, v21;
	v14 =	vld.idx.msk [tilespmem:v14+s2+$0x0], $0xffff  }
0x86: {  	vm2 =	vgt.f32 v16, v17;
	v18 =	vsel vm0, $0x5, v19;
	v19 =	vsel vm0, v16, v21  }
0x87: {  	v20 =	vsel vm1, $0x4, v20;
	v16 =	vsel vm2, v16, v17;
	v19 =	vsel vm2, v17, v19  }
0x88: {  	v17 =	vsel vm2, v20, v18;
	v18 =	vsel vm2, $0x5, v20;
	vm0 =	vgt.f32 v15, v19;
	v11 =	vld.idx.msk [tilespmem:v11+s2+$0x0], $0xffff  }
0x89: {  	vm1 =	vgt.f32 v15, v16;
	v17 =	vsel vm0, $0x6, v17;
	v19 =	vsel vm0, v15, v19  }
0x8a: {  	v15 =	vsel vm1, v15, v16;
	v17 =	vsel vm1, v18, v17;
	v19 =	vsel vm1, v16, v19  }
0x8b: {  	v16 =	vsel vm1, $0x6, v18;
	vm0 =	vgt.f32 v14, v19;
	v9 =	vld.idx.msk [tilespmem:v9+s2+$0x0], $0xffff  }
0x8c: {  	vm1 =	vgt.f32 v14, v15;
	v17 =	vsel vm0, $0x7, v17;
	v18 =	vsel vm0, v14, v19  }
0x8d: {  	v14 =	vsel vm1, v14, v15;
	v17 =	vsel vm1, v16, v17;
	v18 =	vsel vm1, v15, v18  }
0x8e: {  	vm0 =	vgt.f32 v11, v18;
	v7 =	vld.idx.msk [tilespmem:v7+s2+$0x0], $0xffff  }
0x8f: {  	v15 =	vsel vm1, $0x7, v16;
	vm1 =	vgt.f32 v11, v14;
	v16 =	vsel vm0, v11, v18  }
0x90: {  	v17 =	vsel vm0, $0x8, v17;
	v11 =	vsel vm1, v11, v14;
	v16 =	vsel vm1, v14, v16  }
0x91: {  	v14 =	vsel vm1, v15, v17;
	v15 =	vsel vm1, $0x8, v15;
	vm0 =	vgt.f32 v9, v16;
	v6 =	vld.idx.msk [tilespmem:v6+s2+$0x0], $0xffff  }
0x92: {  	vm1 =	vgt.f32 v9, v11;
	v14 =	vsel vm0, $0x9, v14;
	v16 =	vsel vm0, v9, v16  }
0x93: {  	v9 =	vsel vm1, v9, v11;
	v14 =	vsel vm1, v15, v14;
	v16 =	vsel vm1, v11, v16  }
0x94: {  	v11 =	vsel vm1, $0x9, v15;
	vm0 =	vgt.f32 v7, v16;
	v13 =	vld.idx.msk [tilespmem:v13+s2+$0x0], $0xffff  }
0x95: {  	vm1 =	vgt.f32 v7, v9;
	v14 =	vsel vm0, $0xA, v14;
	v15 =	vsel vm0, v7, v16  }
0x96: {  	v14 =	vsel vm1, v11, v14;
	v15 =	vsel vm1, v9, v15;
	v11 =	vsel vm1, $0xA, v11  }
0x97: {  	v7 =	vsel vm1, v7, v9;
	vm0 =	vgt.f32 v6, v15;
	v9 =	vld.idx.msk [tilespmem:v12+s2+$0x0], $0xffff  }
0x98: {  	vm1 =	vgt.f32 v6, v7;
	v12 =	vsel vm0, $0xB, v14;
	v14 =	vsel vm0, v6, v15  }
0x99: {  	v12 =	vsel vm1, v11, v12;
	v14 =	vsel vm1, v7, v14  }
0x9a: {  	v6 =	vsel vm1, v6, v7;
	vm0 =	vgt.f32 v13, v14;
	v7 =	vld.idx.msk [tilespmem:v10+s2+$0x0], $0xffff  }
0x9b: {  	v10 =	vsel vm1, $0xB, v11;
	vm1 =	vgt.f32 v13, v6;
	v11 =	vsel vm0, v13, v14  }
0x9c: {  	v12 =	vsel vm0, $0xC, v12;
	v11 =	vsel vm1, v6, v11;
	v14 =	vsel vm1, $0xC, v10  }
0x9d: {  	v10 =	vsel vm1, v10, v12;
	v6 =	vsel vm1, v13, v6;
	vm0 =	vgt.f32 v9, v11;
	v8 =	vld.idx.msk [tilespmem:v8+s2+$0x0], $0xffff  }
0x9e: {  	vm1 =	vgt.f32 v9, v6;
	v10 =	vsel vm0, $0xD, v10;
	v11 =	vsel vm0, v9, v11  }
0x9f: {  	v10 =	vsel vm1, v14, v10;
	v11 =	vsel vm1, v6, v11  }
0xa0: {  	v12 =	vsel vm1, $0xD, v14;
	v6 =	vsel vm1, v9, v6;
	vm0 =	vgt.f32 v7, v11  }
0xa1: {  	vm1 =	vgt.f32 v7, v6;
	v9 =	vsel vm0, $0xE, v10;
	v10 =	vsel vm0, v7, v11  }
0xa2: {  	v9 =	vsel vm1, v12, v9;
	v10 =	vsel vm1, v6, v10;
	v6 =	vsel vm1, v7, v6  }
0xa3: {  	v7 =	vsel vm1, $0xE, v12;
	vm0 =	vgt.f32 v8, v10  }
0xa4: {  	vm1 =	vgt.f32 v8, v6;
	v9 =	vsel vm0, $0xF, v9;
	v10 =	vsel vm0, v8, v10  }
0xa5: {  	v12 =	vsel vm1, $0xF, v7;
	v10 =	vsel vm1, v6, v10;
	v6 =	vsel vm1, v8, v6  }
0xa6: {  	v8 =	vsel vm1, v7, v9;
	v6 =	vsub.f32 v10, v6;
	[tilespmem:v4+s9+$0x0] =	vst.idx.msk $0xffff, v12  }
0xa7: {  	[tilespmem:v5+s9+$0x0] =	vst.idx.msk $0xffff, v8  }
0xa8: {  	v6 =	vmul.f32 $1.442695020e+00, v6;
	_ =	sdelay $0x1  }
0xa9: {  	(erf) = vpow2.f32 v6;
	_ =	sdelay $0x8  }
0xaa: {  	v6 =	vpop (erf)  }
0xab: {  	v6 =	vadd.f32 $1.000000000e+00, v6;
	_ =	sdelay $0x1  }
0xac: {  	(erf) = vrcp.f32 v6;
	_ =	sdelay $0x6  }
0xad: {  	v6 =	vmov s14  }
0xae: {  	v6 =	vshll.u32 v6, $0x7  }
.Ltmp0:
0xaf: {  	v6 =	vor.u32 v1, v6;
	v7 =	vpop (erf);
	(pc) =	sbr.rel @p0 .LBB2_2-.Ltmp0, $4  }
0xb0: {  	v20 =	vor.u32 $0x1, v6;
	v19 =	vor.u32 $0x2, v6;
	v9 =	vsub.f32 $1.000000000e+00, v7;
	[tilespmem:v4+s10+$0x0] =	vst.idx.msk $0xffff, v7;
	v4 =	vmovc v6  }
0xb1: {  	v18 =	vor.u32 $0x3, v4;
	v17 =	vor.u32 $0x4, v4;
	v16 =	vor.u32 $0x5, v4  }
0xb2: {  	v15 =	vor.u32 $0x6, v4;
	v14 =	vor.u32 $0x7, v4;
	v11 =	vor.u32 $0x8, v4;
	[tilespmem:v5+s10+$0x0] =	vst.idx.msk $0xffff, v9;
	v5 =	vmovc v20  }
0xb3: {  	v7 =	vor.u32 $0xA, v4;
	v6 =	vor.u32 $0xB, v4;
	v9 =	vor.u32 $0x9, v4;
	[tilespmem:v12+s11+$0x0] =	vst.idx.add.f32.msk $0xffff, v3  }
0xb4: {  	_ =	sdelay $0x3  }
0xb5: {  	[tilespmem:v8+s11+$0x0] =	vst.idx.add.f32.msk $0xffff, v3  }
0xb6: {  	v8 =	vld.idx.msk [tilespmem:v20+s2+$0x0], $0xffff  }
0xb7: {  	v10 =	vld.idx.msk [tilespmem:v4+s2+$0x0], $0xffff;
	_ =	sdelay $0x2  }
0xb8: {  	v12 =	vld.idx.msk [tilespmem:v19+s2+$0x0], $0xffff  }
0xb9: {  	vm0 =	vlt.f32 v8, $-Inf;
	vm1 =	vgt.f32 v8, $-Inf  }
0xba: {  	vm13 =	vgt.f32 v8, v10;
	vm0 =	vmor vm1, vm0  }
0xbb: {  	v54 =	vld.idx.msk [tilespmem:v18+s2+$0x0], $0xffff;
	vm10 =	vmneg vm13;
	v55 =	vnsel vm0, $0xFF800000, v8  }
0xbc: {  	v18 =	vsel vm10, v55, v10  }
0xbd: {  	v8 =	vsel vm10, v10, v8;
	vm7 =	vgt.f32 v12, v18  }
0xbe: {  	v57 =	vld.idx.msk [tilespmem:v17+s2+$0x0], $0xffff;
	vm11 =	vgt.f32 v12, v8;
	v58 =	vsel vm7, v12, v18  }
0xbf: {  	v17 =	vsel vm11, v8, v58  }
0xc0: {  	v8 =	vsel vm11, v12, v8;
	vm12 =	vgt.f32 v54, v17  }
0xc1: {  	v60 =	vld.idx.msk [tilespmem:v16+s2+$0x0], $0xffff;
	vm9 =	vgt.f32 v54, v8;
	v61 =	vsel vm12, v54, v17  }
0xc2: {  	v16 =	vsel vm9, v8, v61  }
0xc3: {  	v56 =	vimm.s32 $0x0;
	v8 =	vsel vm9, v54, v8;
	vm14 =	vgt.f32 v57, v16  }
0xc4: {  	v63 =	vld.idx.msk [tilespmem:v15+s2+$0x0], $0xffff;
	v10 =	vsel vm7, $0xFFFFFFFF, v56;
	vm7 =	vgt.f32 v57, v8;
	v18 =	vsel vm14, v57, v16  }
0xc5: {  	v15 =	vsel vm7, v8, v18  }
0xc6: {  	v8 =	vsel vm7, v57, v8;
	vm15 =	vgt.f32 v60, v15  }
0xc7: {  	v20 =	vld.idx.msk [tilespmem:v14+s2+$0x0], $0xffff;
	vm8 =	vgt.f32 v60, v8;
	v21 =	vsel vm15, v60, v15  }
0xc8: {  	v59 =	vimm.s32 $0x0;
	v22 =	vimm.s32 $0x0;
	v14 =	vsel vm8, v8, v21  }
0xc9: {  	v12 =	vsel vm12, $0xFFFFFFFF, v59;
	v8 =	vsel vm8, v60, v8;
	vm4 =	vgt.f32 v63, v14  }
0xca: {  	v11 =	vld.idx.msk [tilespmem:v11+s2+$0x0], $0xffff;
	[tilespmem:$0x1FE80] =	vst v12;
	vm12 =	vgt.f32 v63, v8;
	v12 =	vsel vm4, $0xFFFFFFFF, v22;
	v23 =	vsel vm4, v63, v14  }
0xcb: {  	v13 =	vimm.s32 $0x0;
	v62 =	vimm.s32 $0x0;
	[tilespmem:$0x1FEB0] =	vst v12;
	v12 =	vsel vm12, v8, v23  }
0xcc: {  	v13 =	vsel vm0, $0xFFFFFFFF, v13;
	v8 =	vsel vm12, v63, v8;
	vm5 =	vgt.f32 v20, v12  }
0xcd: {  	v9 =	vld.idx.msk [tilespmem:v9+s2+$0x0], $0xffff;
	[tilespmem:$0x1FE60] =	vst v13;
	v13 =	vsel vm14, $0xFFFFFFFF, v62;
	vm14 =	vgt.f32 v20, v8;
	v12 =	vsel vm5, v20, v12  }
0xce: {  	v25 =	vimm.s32 $0x0;
	v19 =	vimm.s32 $0x0;
	v12 =	vsel vm14, v8, v12  }
0xcf: {  	[tilespmem:$0x1FE70] =	vst v10;
	v10 =	vsel vm15, $0xFFFFFFFF, v19;
	v8 =	vsel vm14, v20, v8;
	vm6 =	vgt.f32 v11, v12  }
0xd0: {  	v7 =	vld.idx.msk [tilespmem:v7+s2+$0x0], $0xffff;
	[tilespmem:$0x1FEA0] =	vst v10;
	v10 =	vsel vm6, $0xFFFFFFFF, v25;
	v26 =	vsel vm6, v11, v12;
	vm6 =	vgt.f32 v11, v8  }
0xd1: {  	v27 =	vor.u32 $0xC, v4;
	[tilespmem:$0x1FED0] =	vst v10;
	v10 =	vsel vm6, v8, v26  }
0xd2: {  	v24 =	vimm.s32 $0x0;
	v8 =	vsel vm6, v11, v8;
	vm15 =	vgt.f32 v9, v10  }
0xd3: {  	v6 =	vld.idx.msk [tilespmem:v6+s2+$0x0], $0xffff;
	[tilespmem:$0x1FE90] =	vst v13;
	v13 =	vsel vm5, $0xFFFFFFFF, v24;
	vm5 =	vgt.f32 v9, v8;
	v10 =	vsel vm15, v9, v10  }
0xd4: {  	v29 =	vor.u32 $0xD, v4;
	v10 =	vsel vm5, v8, v10  }
0xd5: {  	v30 =	vimm.s32 $0x0;
	v8 =	vsel vm5, v9, v8;
	vm4 =	vgt.f32 v7, v10  }
0xd6: {  	v31 =	vld.idx.msk [tilespmem:v27+s2+$0x0], $0xffff;
	v9 =	vsel vm4, $0xFFFFFFFF, v30;
	v10 =	vsel vm4, v7, v10;
	vm4 =	vgt.f32 v7, v8  }
0xd7: {  	v28 =	vimm.s32 $0x0;
	v32 =	vor.u32 $0xE, v4;
	v10 =	vsel vm4, v8, v10  }
0xd8: {  	v11 =	vsel vm15, $0xFFFFFFFF, v28;
	v7 =	vsel vm4, v7, v8;
	vm15 =	vgt.f32 v6, v10  }
0xd9: {  	v34 =	vld.idx.msk [tilespmem:v29+s2+$0x0], $0xffff;
	vm3 =	vgt.f32 v6, v7;
	v10 =	vsel vm15, v6, v10  }
0xda: {  	v33 =	vimm.s32 $0x0;
	v35 =	vor.u32 $0xF, v4;
	v10 =	vsel vm3, v7, v10  }
0xdb: {  	v40 =	vld [tilespmem:$0x1FE60];
	v8 =	vsel vm15, $0xFFFFFFFF, v33;
	v6 =	vsel vm3, v6, v7;
	vm15 =	vgt.f32 v31, v10  }
0xdc: {  	v37 =	vld.idx.msk [tilespmem:v32+s2+$0x0], $0xffff;
	vm2 =	vgt.f32 v31, v6;
	v10 =	vsel vm15, v31, v10  }
0xdd: {  	v36 =	vimm.s32 $0x0;
	v38 =	vimm.s32 $0x0;
	v10 =	vsel vm2, v6, v10  }
0xde: {  	v44 =	vld [tilespmem:$0x1FE70];
	v7 =	vsel vm15, $0xFFFFFFFF, v36;
	v6 =	vsel vm2, v31, v6;
	vm15 =	vgt.f32 v34, v10  }
0xdf: {  	v39 =	vld.idx.msk [tilespmem:v35+s2+$0x0], $0xffff;
	v43 =	vsel vm13, $0x1, v2;
	vm1 =	vgt.f32 v34, v6;
	v10 =	vsel vm15, v34, v10  }
0xe0: {  	v45 =	vsel vm11, $0x2, v43;
	vm0 =	vnez.u8 v40;
	v10 =	vsel vm1, v6, v10  }
0xe1: {  	v46 =	vld [tilespmem:$0x1FE80];
	[tilespmem:$0x1FEF0] =	vst v9;
	v9 =	vsel vm15, $0xFFFFFFFF, v38;
	v6 =	vsel vm1, v34, v6;
	vm15 =	vgt.f32 v37, v10  }
0xe2: {  	vm0 =	vmand vm10, vm0;
	vm10 =	vgt.f32 v37, v6;
	v41 =	vsel vm15, v37, v10  }
0xe3: {  	v42 =	vsel vm0, $0x1, v2;
	vm0 =	vnez.u8 v44;
	v48 =	vld [tilespmem:$0x1FE90];
	[tilespmem:$0x1FF00] =	vst v8;
	v8 =	vsel vm10, v6, v41  }
0xe4: {  	[tilespmem:$0x1FF10] =	vst v7;
	v7 =	vsel vm0, $0x2, v42;
	v6 =	vsel vm10, v37, v6;
	vm13 =	vgt.f32 v39, v8  }
0xe5: {  	v49 =	vld [tilespmem:$0x1FEA0];
	v7 =	vsel vm11, v43, v7;
	vm0 =	vgt.f32 v39, v6;
	v8 =	vsel vm13, v39, v8  }
0xe6: {  	vm11 =	vnez.u8 v46;
	v8 =	vsel vm0, v6, v8;
	v6 =	vsel vm0, v39, v6  }
0xe7: {  	v52 =	vld [tilespmem:$0x1FEB0];
	v7 =	vsel vm11, $0x3, v7;
	v6 =	vsub.f32 v8, v6  }
0xe8: {  	v47 =	vsel vm9, $0x3, v45;
	[tilespmem:$0x1FEC0] =	vst v13;
	v7 =	vsel vm9, v45, v7;
	vm9 =	vnez.u8 v48  }
0xe9: {  	v53 =	vld [tilespmem:$0x1FEC0];
	v7 =	vsel vm9, $0x4, v7;
	v6 =	vmul.f32 $1.442695020e+00, v6  }
0xea: {  	vm9 =	vnez.u8 v49;
	v7 =	vsel vm7, v47, v7  }
0xeb: {  	v54 =	vld [tilespmem:$0x1FED0];
	v7 =	vsel vm9, $0x5, v7;
	v8 =	vsel vm7, $0x4, v47;
	(erf) = vpow2.f32 v6  }
0xec: {  	[tilespmem:$0x1FEE0] =	vst v11;
	vm9 =	vnez.u8 v52;
	v50 =	vsel vm8, v8, v7  }
0xed: {  	v55 =	vld [tilespmem:$0x1FEE0];
	v51 =	vsel vm8, $0x5, v8;
	v6 =	vsel vm9, $0x6, v50  }
0xee: {  	vm11 =	vnez.u8 v53;
	v6 =	vsel vm12, v51, v6  }
0xef: {  	v57 =	vld [tilespmem:$0x1FEF0];
	v7 =	vsel vm12, $0x6, v51;
	v6 =	vsel vm11, $0x7, v6  }
0xf0: {  	vm12 =	vnez.u8 v54;
	v6 =	vsel vm14, v7, v6  }
0xf1: {  	v58 =	vld [tilespmem:$0x1FF00];
	v7 =	vsel vm14, $0x7, v7;
	v6 =	vsel vm12, $0x8, v6  }
0xf2: {  	vm14 =	vnez.u8 v55;
	v6 =	vsel vm6, v7, v6  }
0xf3: {  	v59 =	vld [tilespmem:$0x1FF10];
	v7 =	vsel vm6, $0x8, v7;
	v6 =	vsel vm14, $0x9, v6  }
0xf4: {  	[tilespmem:$0x1FF20] =	vst v9;
	vm9 =	vnez.u8 v57;
	v6 =	vsel vm5, v7, v6;
	v56 =	vpop (erf)  }
0xf5: {  	v60 =	vld [tilespmem:$0x1FF20];
	v7 =	vsel vm5, $0x9, v7;
	v6 =	vsel vm9, $0xA, v6;
	v8 =	vadd.f32 $1.000000000e+00, v56  }
0xf6: {  	vm11 =	vnez.u8 v58;
	v6 =	vsel vm4, v7, v6  }
0xf7: {  	v7 =	vsel vm4, $0xA, v7;
	v6 =	vsel vm11, $0xB, v6;
	(erf) = vrcp.f32 v8  }
0xf8: {  	vm12 =	vnez.u8 v59;
	v6 =	vsel vm3, v7, v6  }
0xf9: {  	v7 =	vsel vm3, $0xB, v7;
	v6 =	vsel vm12, $0xC, v6  }
0xfa: {  	vm14 =	vnez.u8 v60;
	v6 =	vsel vm2, v7, v6  }
0xfb: {  	v7 =	vsel vm2, $0xC, v7;
	v6 =	vsel vm14, $0xD, v6  }
0xfc: {  	v6 =	vsel vm1, v7, v6  }
0xfd: {  	v7 =	vsel vm1, $0xD, v7;
	v6 =	vsel vm15, $0xE, v6  }
0xfe: {  	v6 =	vsel vm10, v7, v6;
	v7 =	vsel vm10, $0xE, v7  }
0xff: {  	v6 =	vsel vm13, $0xF, v6;
	v61 =	vsel vm0, $0xF, v7  }
0x100: {  	v6 =	vsel vm0, v7, v6;
	[tilespmem:v4+s9+$0x0] =	vst.idx.msk $0xffff, v61;
	v62 =	vpop (erf)  }
0x101: {  	[tilespmem:v5+s9+$0x0] =	vst.idx.msk $0xffff, v6;
	v63 =	vsub.f32 $1.000000000e+00, v62  }
0x102: {  	[tilespmem:v4+s10+$0x0] =	vst.idx.msk $0xffff, v62  }
0x103: {  	[tilespmem:v5+s10+$0x0] =	vst.idx.msk $0xffff, v63  }
0x104: {  	[tilespmem:v61+s11+$0x0] =	vst.idx.add.f32.msk $0xffff, v3  }
0x105: {  	[tilespmem:v6+s11+$0x0] =	vst.idx.add.f32.msk $0xffff, v3  }
0x106: {  	[hbm4b:s4+s2] =	stream.linear.scatter [tilespmem:s9], [sflag:$0x1], $0x8000, $0x38;
	[tilespmem:$0x18080] =	vst v63  }
0x107: {  	_ =	swait.ge [sflag:s8], $0x8000  }
0x108: {  	[sflag:s8] =	ssyncset.done $0x0  }
0x109: {  	[sflag:s8] =	ssyncadd.s32 $0xFFFF8000  }
0x10a: {  	[hbm4b:s5+s2] =	stream.linear.scatter [tilespmem:s10], [sflag:$0x1], $0x8000, $0x38;
	[tilespmem:$0x18080] =	vst v63  }
0x10b: {  	s12 =	sadd.s32 $0x1, s12;
	_ =	swait.ge [sflag:s8], $0x8000  }
0x10c: {  	p0 =	sne.s32 s12, s7;
	[sflag:s8] =	ssyncset.done $0x0  }
.Ltmp1:
0x10d: {  	[sflag:s8] =	ssyncadd.s32 $0xFFFF8000;
	(pc) =	sbr.rel @p0 .LBB2_1-.Ltmp1, $4  }
0x10e: {  	[hbm4b:s6+s2] =	stream.linear.scatter [tilespmem:s11], [sflag:$0x1], $0x80, $0x38;
	[tilespmem:$0x18080] =	vst v63  }
0x10f: {  	_ =	swait.ge [sflag:s8], $0x80  }
0x110: {  	[sflag:s8] =	ssyncset.done $0x0  }
0x111: {  	[sflag:s8] =	ssyncadd.s32 $0xFFFFFF80  }
0x112: {  	_ =	sfence.sel $0x180000  }
0x113: {  	[bflag:$0x0] =	sbarrier.arrive $0xFFFF  }
0x114: {  	p0 =	sne.s32 s1, $0x0;
	_ =	strace $0x90000047  }
0x115: {  	s0 =	sadd.s32 @!p0 $0x100000, s0;
	[bflag:$0x2] =	sbarrier.arrive $0xFFFF  }
0x116: {  	[sflag:s0] =	ssyncadd.tile.s32 @!p0 $0x1;
	_ =	shalt  }
.Lfunc_end2:
_tile_overlayer_lowered:
.L_overlay_start_2:
0x117: {  	(tag) =	ssettag $0x2  }
0x118: {  	s0 =	rddreg [dreg:$0x0];
	s2 =	stileid.u32  }
0x119: {  	s1 =	rddreg [dreg:$0x1];
	p0 =	sne.s32 s2, $0x0  }
0x11a: {  	s3 =	rddreg [dreg:$0x2];
	[bflag:$0x3] =	sbarrier.arrive $0xFFFF;
	s2 =	simm.s32 @!p0 $0x1C01  }
0x11b: {  	[timem:s3], [sflag:s2] =	dma.local @!p0 [hbm:s0], s1  }
0x11c: {  	s0 =	simm.s32 @!p0 $0x1  }
0x11d: {  	_ =	swait.ge @!p0 [sflag:s0], s1  }
0x11e: {  	s1 =	ssub.s32 @!p0 $0x0, s1;
	[sflag:s0] =	ssyncset.done @!p0 $0x0  }
0x11f: {  	[sflag:s0] =	ssyncadd.s32 @!p0 s1  }
0x120: {  	[bflag:$0x3] =	sbarrier.arrive $0xFFFF  }
0x121: {  	_ =	shalt  }

</sc_bundles>
